<compile_context>
chip_gen: v7x
topology: tpu7x:2x2x1
jax: 0.10.2.dev20260603
libtpu: 0.0.44.dev20260713+nightly
codegen_flags: <defaults>
</compile_context>

<pallas_src>
import functools

import jax
import jax.numpy as jnp
from jax import lax
from jax.experimental import pallas as pl
from jax.experimental.pallas import tpu as pltpu
from jax.experimental.pallas import tpu_sc as plsc

B = 16384
D = 64
NC = 2
NS = 16
NW = NC * NS
ROWS = B // NW
L = 16
DCH = D // L
GW = 128
NG = ROWS // GW


def _pc_body(pemb, cemb, ubias, pbias, gbias, uidx, pidx, cidx,
             comb_out, bsum_out, uix_v, pix_v, cix_v, p_v, c_v, cb_v,
             ub_v, pb_v, g_v, bs_v, sem):
    cid = lax.axis_index("c")
    sid = lax.axis_index("s")
    wid = sid * NC + cid
    base = wid * ROWS

    pltpu.sync_copy(uidx.at[wid], uix_v)
    pltpu.sync_copy(pidx.at[wid], pix_v)
    pltpu.sync_copy(cidx.at[wid], cix_v)
    pltpu.sync_copy(gbias, g_v.at[pl.ds(0, 1)])

    cps = []
    for j in range(NG):
        dst = pl.ds(j * GW, GW)
        cps.append(pltpu.async_copy(pemb.at[pix_v.at[j]], p_v.at[dst], sem))
        cps.append(pltpu.async_copy(cemb.at[cix_v.at[j]], c_v.at[dst], sem))
        cps.append(pltpu.async_copy(ubias.at[uix_v.at[j]],
                                    ub_v.at[dst], sem))
        cps.append(pltpu.async_copy(pbias.at[pix_v.at[j]],
                                    pb_v.at[dst], sem))
    for cp in cps:
        cp.wait()

    @pl.loop(0, ROWS)
    def _(b):
        for k in range(DCH):
            sl = pl.ds(k * L, L)
            cb_v[pl.ds(b * D + k * L, L)] = (
                p_v[b, sl] + jnp.float32(0.3) * c_v[b, sl])

    g = g_v[pl.ds(0, L)][0]

    @pl.loop(0, ROWS // L)
    def _(i):
        sl = pl.ds(i * L, L)
        bs_v[sl] = ub_v[sl] + pb_v[sl] + g

    pltpu.sync_copy(cb_v, comb_out.at[pl.ds(base * D, ROWS * D)])
    pltpu.sync_copy(bs_v, bsum_out.at[pl.ds(base, ROWS)])


DP = 128
PR = 2000


def _pad_body(x_ref, o_ref):
    o_ref[:, :D] = x_ref[...]


def _u_body(uemb, comb, bsum, uidx, out, uix_v, u_v, cb_v, bs_v, o_v, sem):
    cid = lax.axis_index("c")
    sid = lax.axis_index("s")
    wid = sid * NC + cid
    base = wid * ROWS

    pltpu.sync_copy(uidx.at[wid], uix_v)
    pltpu.sync_copy(comb.at[pl.ds(base * D, ROWS * D)], cb_v)
    pltpu.sync_copy(bsum.at[pl.ds(base, ROWS)], bs_v)

    cps = []
    for j in range(NG):
        cps.append(pltpu.async_copy(uemb.at[uix_v.at[j]],
                                    u_v.at[pl.ds(j * GW, GW)], sem))
    for cp in cps:
        cp.wait()

    last_lane = lax.iota(jnp.int32, L) == (L - 1)

    @pl.loop(0, ROWS)
    def _(b):
        acc = None
        for k in range(DCH):
            sl = pl.ds(k * L, L)
            t = u_v[b, sl] * cb_v[pl.ds(b * D + k * L, L)]
            acc = t if acc is None else acc + t
        s = plsc.cumsum(acc)
        bvec = jnp.full((L,), b, jnp.int32)
        plsc.store_scatter(o_v, [bvec], s, mask=last_lane)

    @pl.loop(0, ROWS // L)
    def _(i):
        sl = pl.ds(i * L, L)
        o_v[sl] = o_v[sl] + bs_v[sl]

    pltpu.sync_copy(o_v, out.at[pl.ds(base, ROWS)])


@functools.partial(jax.jit, static_argnames=())
def kernel(user_idx, product_idx, category_idx, user_emb, product_emb,
           category_emb, user_bias, product_bias, global_bias):
    mesh = plsc.VectorSubcoreMesh(core_axis_name="c", subcore_axis_name="s",
                                  num_cores=NC, num_subcores=NS)
    pc_call = pl.kernel(
        _pc_body,
        out_type=(jax.ShapeDtypeStruct((B * D,), jnp.float32),
                  jax.ShapeDtypeStruct((B,), jnp.float32)),
        mesh=mesh,
        compiler_params=pltpu.CompilerParams(needs_layout_passes=False,
                                             use_tc_tiling_on_sc=False,
                                             skip_device_barrier=True),
        scratch_types=[
            pltpu.VMEM((NG, GW), jnp.int32),
            pltpu.VMEM((NG, GW), jnp.int32),
            pltpu.VMEM((NG, GW), jnp.int32),
            pltpu.VMEM((ROWS, D), jnp.float32),
            pltpu.VMEM((ROWS, D), jnp.float32),
            pltpu.VMEM((ROWS * D,), jnp.float32),
            pltpu.VMEM((ROWS,), jnp.float32),
            pltpu.VMEM((ROWS,), jnp.float32),
            pltpu.VMEM((L,), jnp.float32),
            pltpu.VMEM((ROWS,), jnp.float32),
            pltpu.SemaphoreType.DMA,
        ],
    )
    u_call = pl.kernel(
        _u_body,
        out_type=jax.ShapeDtypeStruct((B,), jnp.float32),
        mesh=mesh,
        compiler_params=pltpu.CompilerParams(needs_layout_passes=False,
                                             use_tc_tiling_on_sc=True,
                                             skip_device_barrier=True),
        scratch_types=[
            pltpu.VMEM((NG, GW), jnp.int32),
            pltpu.VMEM((ROWS, DP), jnp.float32),
            pltpu.VMEM((ROWS * D,), jnp.float32),
            pltpu.VMEM((ROWS,), jnp.float32),
            pltpu.VMEM((ROWS,), jnp.float32),
            pltpu.SemaphoreType.DMA,
        ],
    )
    idx3 = lambda a: a.reshape(NW, NG, GW)
    comb, bsum = pc_call(product_emb, category_emb,
                         user_bias.reshape(-1), product_bias.reshape(-1),
                         global_bias, idx3(user_idx), idx3(product_idx),
                         idx3(category_idx))
    nu = user_emb.shape[0]
    uemb_pad = pl.pallas_call(
        _pad_body,
        grid=(nu // PR,),
        in_specs=[pl.BlockSpec((PR, D), lambda i: (i, 0))],
        out_specs=pl.BlockSpec((PR, DP), lambda i: (i, 0)),
        out_shape=jax.ShapeDtypeStruct((nu, DP), jnp.float32),
    )(user_emb)
    return u_call(uemb_pad, comb, bsum, idx3(user_idx))

# --- scband reference (transcript-rebuilt; emitter-appended) ---
"""Pipeline reference for scband-baseline-mfwith-category-53635551592547 (READ-ONLY COPY).

The authoritative reference and input builder live on the scoring server;
editing this copy changes nothing except your own understanding.
"""

import jax, jax.numpy as jnp
import numpy as np

N_USERS = 1000000
N_PRODUCTS = 100000
N_CATEGORIES = 1000
N_FACTORS = 64
BATCH = 16384


def setup_inputs(seed: int = 0) -> dict:
    key = jax.random.key(seed)
    k1, k2, k3, k4, k5, k6 = jax.random.split(key, 6)
    user_idx = jax.random.randint(k1, (BATCH,), 0, N_USERS, dtype=jnp.int64 if jax.config.jax_enable_x64 else jnp.int32)
    product_idx = jax.random.randint(k2, (BATCH,), 0, N_PRODUCTS, dtype=jnp.int64 if jax.config.jax_enable_x64 else jnp.int32)
    category_idx = jax.random.randint(k3, (BATCH,), 0, N_CATEGORIES, dtype=jnp.int64 if jax.config.jax_enable_x64 else jnp.int32)
    user_emb = jax.random.normal(k4, (N_USERS, N_FACTORS), dtype=jnp.float32) * 0.01
    product_emb = jax.random.normal(k5, (N_PRODUCTS, N_FACTORS), dtype=jnp.float32) * 0.01
    category_emb = jax.random.normal(k6, (N_CATEGORIES, N_FACTORS), dtype=jnp.float32) * 0.01
    user_bias = jnp.zeros((N_USERS, 1), dtype=jnp.float32)
    product_bias = jnp.zeros((N_PRODUCTS, 1), dtype=jnp.float32)
    global_bias = jnp.zeros((1,), dtype=jnp.float32)
    return {
        "user_idx": user_idx,
        "product_idx": product_idx,
        "category_idx": category_idx,
        "user_emb": user_emb,
        "product_emb": product_emb,
        "category_emb": category_emb,
        "user_bias": user_bias,
        "product_bias": product_bias,
        "global_bias": global_bias,
    }


def reference(user_idx, product_idx, category_idx, user_emb, product_emb, category_emb, user_bias, product_bias, global_bias):
    user_embed = jnp.take(user_emb, user_idx, axis=0)
    product_embed = jnp.take(product_emb, product_idx, axis=0)
    category_embed = jnp.take(category_emb, category_idx, axis=0)
    combined_product_embed = product_embed + 0.3 * category_embed
    u_bias = jnp.take(user_bias, user_idx, axis=0).squeeze(-1)
    p_bias = jnp.take(product_bias, product_idx, axis=0).squeeze(-1)
    interaction = (user_embed * combined_product_embed).sum(axis=1)
    predictions = global_bias + u_bias + p_bias + interaction
    return predictions

if __name__ == "__main__":
    import jax
    _d = setup_inputs()
    print(jax.jit(kernel)(*tuple(_d.values())))

</pallas_src>

<mosaic_0001>
#map = affine_map<(d0, d1) -> (0, 0)>
#map1 = affine_map<(d0, d1) -> (0)>
#map2 = affine_map<(d0, d1) -> (0, 0, 0)>
module attributes {stable_mosaic.version = 14 : i64} {
  func.func @_u_body(%arg0: i32, %arg1: i32, %arg2: memref<1000000x128xf32, #tpu.memory_space<hbm>>, %arg3: memref<1048576xf32, #tpu.memory_space<hbm>>, %arg4: memref<16384xf32, #tpu.memory_space<hbm>>, %arg5: memref<32x4x128xi32, #tpu.memory_space<hbm>>, %arg6: memref<16384xf32, #tpu.memory_space<hbm>>, %arg7: memref<4x128xi32, #tpu.memory_space<vmem>>, %arg8: memref<512x128xf32, #tpu.memory_space<vmem>>, %arg9: memref<32768xf32, #tpu.memory_space<vmem>>, %arg10: memref<512xf32, #tpu.memory_space<vmem>>, %arg11: memref<512xf32, #tpu.memory_space<vmem>>, %arg12: memref<!tpu.dma_semaphore, #tpu.memory_space<semaphore_mem>>) attributes {dimension_semantics = [#tpu.dimension_semantics<core_parallel>, #tpu.dimension_semantics<subcore_parallel>], iteration_bounds = array<i64: 2, 16>, scalar_prefetch = 0 : i64, scratch_operands = 6 : i64, tpu.core_type = #tpu.core_type<sc_vector_subcore>, window_params = [{transform_indices = #map}, {transform_indices = #map1}, {transform_indices = #map1}, {transform_indices = #map2}, {transform_indices = #map1}]} {
    %mul3A = arith.constant 2 : i32
    %mul3A_0 = arith.muli %arg1, %mul3A : i32
    %add3A = arith.addi %mul3A_0, %arg0 : i32
    %mul3A_1 = arith.constant 512 : i32
    %mul3A_2 = arith.muli %add3A, %mul3A_1 : i32
    "tpu.region"() ({
      %run_scoped3A = tpu.sem_alloc : memref<!tpu.dma_semaphore, #tpu.memory_space<semaphore_mem>>
      %dma_start3A_94 = arith.constant 0 : i32
      %dma_start3A_95 = arith.constant 0 : i32
      %dma_start3A_96 = tpu.memref_slice %arg5[%add3A, %dma_start3A_94, %dma_start3A_95] : memref<32x4x128xi32, #tpu.memory_space<hbm>> -> memref<1x4x128xi32, #tpu.memory_space<hbm>>
      %dma_start3A_97 = tpu.memref_squeeze %dma_start3A_96 : memref<1x4x128xi32, #tpu.memory_space<hbm>> -> memref<4x128xi32, #tpu.memory_space<hbm>>
      %dma_start3A_98 = arith.constant 0 : i32
      %dma_start3A_99 = arith.constant 0 : i32
      %dma_start3A_100 = tpu.memref_slice %arg5[%add3A, %dma_start3A_98, %dma_start3A_99] : memref<32x4x128xi32, #tpu.memory_space<hbm>> -> memref<1x4x128xi32, #tpu.memory_space<hbm>>
      %dma_start3A_101 = tpu.memref_squeeze %dma_start3A_100 : memref<1x4x128xi32, #tpu.memory_space<hbm>> -> memref<4x128xi32, #tpu.memory_space<hbm>>
      tpu.enqueue_dma source(%dma_start3A_101 : memref<4x128xi32, #tpu.memory_space<hbm>>) target(%arg7 : memref<4x128xi32, #tpu.memory_space<vmem>>) target_semaphore(%run_scoped3A : memref<!tpu.dma_semaphore, #tpu.memory_space<semaphore_mem>>)
      %dma_wait3A_102 = arith.constant 0 : i32
      %dma_wait3A_103 = arith.constant 0 : i32
      %dma_wait3A_104 = tpu.memref_slice %arg5[%add3A, %dma_wait3A_102, %dma_wait3A_103] : memref<32x4x128xi32, #tpu.memory_space<hbm>> -> memref<1x4x128xi32, #tpu.memory_space<hbm>>
      %dma_wait3A_105 = tpu.memref_squeeze %dma_wait3A_104 : memref<1x4x128xi32, #tpu.memory_space<hbm>> -> memref<4x128xi32, #tpu.memory_space<hbm>>
      %dma_wait3A_106 = arith.constant 0 : i32
      %dma_wait3A_107 = arith.constant 0 : i32
      %dma_wait3A_108 = tpu.memref_slice %arg5[%add3A, %dma_wait3A_106, %dma_wait3A_107] : memref<32x4x128xi32, #tpu.memory_space<hbm>> -> memref<1x4x128xi32, #tpu.memory_space<hbm>>
      %dma_wait3A_109 = tpu.memref_squeeze %dma_wait3A_108 : memref<1x4x128xi32, #tpu.memory_space<hbm>> -> memref<4x128xi32, #tpu.memory_space<hbm>>
      tpu.wait_dma2 semaphore(%run_scoped3A : memref<!tpu.dma_semaphore, #tpu.memory_space<semaphore_mem>>) src(%dma_wait3A_109 : memref<4x128xi32, #tpu.memory_space<hbm>>) dst(%arg7 : memref<4x128xi32, #tpu.memory_space<vmem>>)
      tpu.yield
    }) : () -> ()
    %mul3A_3 = arith.constant 64 : i32
    %mul3A_4 = arith.muli %mul3A_2, %mul3A_3 : i32
    "tpu.region"() ({
      %run_scoped3A = tpu.sem_alloc : memref<!tpu.dma_semaphore, #tpu.memory_space<semaphore_mem>>
      %dma_start3A_94 = tpu.memref_slice %arg3[%mul3A_4] : memref<1048576xf32, #tpu.memory_space<hbm>> -> memref<32768xf32, #tpu.memory_space<hbm>>
      %dma_start3A_95 = tpu.memref_slice %arg3[%mul3A_4] : memref<1048576xf32, #tpu.memory_space<hbm>> -> memref<32768xf32, #tpu.memory_space<hbm>>
      tpu.enqueue_dma source(%dma_start3A_95 : memref<32768xf32, #tpu.memory_space<hbm>>) target(%arg9 : memref<32768xf32, #tpu.memory_space<vmem>>) target_semaphore(%run_scoped3A : memref<!tpu.dma_semaphore, #tpu.memory_space<semaphore_mem>>)
      %dma_wait3A_96 = tpu.memref_slice %arg3[%mul3A_4] : memref<1048576xf32, #tpu.memory_space<hbm>> -> memref<32768xf32, #tpu.memory_space<hbm>>
      %dma_wait3A_97 = tpu.memref_slice %arg3[%mul3A_4] : memref<1048576xf32, #tpu.memory_space<hbm>> -> memref<32768xf32, #tpu.memory_space<hbm>>
      tpu.wait_dma2 semaphore(%run_scoped3A : memref<!tpu.dma_semaphore, #tpu.memory_space<semaphore_mem>>) src(%dma_wait3A_97 : memref<32768xf32, #tpu.memory_space<hbm>>) dst(%arg9 : memref<32768xf32, #tpu.memory_space<vmem>>)
      tpu.yield
    }) : () -> ()
    "tpu.region"() ({
      %run_scoped3A = tpu.sem_alloc : memref<!tpu.dma_semaphore, #tpu.memory_space<semaphore_mem>>
      %dma_start3A_94 = tpu.memref_slice %arg4[%mul3A_2] : memref<16384xf32, #tpu.memory_space<hbm>> -> memref<512xf32, #tpu.memory_space<hbm>>
      %dma_start3A_95 = tpu.memref_slice %arg4[%mul3A_2] : memref<16384xf32, #tpu.memory_space<hbm>> -> memref<512xf32, #tpu.memory_space<hbm>>
      tpu.enqueue_dma source(%dma_start3A_95 : memref<512xf32, #tpu.memory_space<hbm>>) target(%arg10 : memref<512xf32, #tpu.memory_space<vmem>>) target_semaphore(%run_scoped3A : memref<!tpu.dma_semaphore, #tpu.memory_space<semaphore_mem>>)
      %dma_wait3A_96 = tpu.memref_slice %arg4[%mul3A_2] : memref<16384xf32, #tpu.memory_space<hbm>> -> memref<512xf32, #tpu.memory_space<hbm>>
      %dma_wait3A_97 = tpu.memref_slice %arg4[%mul3A_2] : memref<16384xf32, #tpu.memory_space<hbm>> -> memref<512xf32, #tpu.memory_space<hbm>>
      tpu.wait_dma2 semaphore(%run_scoped3A : memref<!tpu.dma_semaphore, #tpu.memory_space<semaphore_mem>>) src(%dma_wait3A_97 : memref<512xf32, #tpu.memory_space<hbm>>) dst(%arg10 : memref<512xf32, #tpu.memory_space<vmem>>)
      tpu.yield
    }) : () -> ()
    %dma_start3A = arith.constant 0 : i32
    %dma_start3A_5 = arith.constant 0 : i32
    %dma_start3A_6 = arith.constant 0 : i32
    %dma_start3A_7 = tpu.memref_slice %arg8[%dma_start3A_5, %dma_start3A_6] : memref<512x128xf32, #tpu.memory_space<vmem>> -> memref<128x128xf32, #tpu.memory_space<vmem>>
    %dma_start3A_8 = arith.constant 0 : i32
    %dma_start3A_9 = tpu.memref_slice %arg7[%dma_start3A, %dma_start3A_8] : memref<4x128xi32, #tpu.memory_space<vmem>> -> memref<1x128xi32, #tpu.memory_space<vmem>>
    %dma_start3A_10 = tpu.memref_squeeze %dma_start3A_9 : memref<1x128xi32, #tpu.memory_space<vmem>> -> memref<128xi32, #tpu.memory_space<vmem>>
    %dma_start3A_11 = arith.constant 0 : i32
    %dma_start3A_12 = arith.constant 0 : i32
    %dma_start3A_13 = tpu.memref_slice %arg2[%dma_start3A_11, %dma_start3A_12] : memref<1000000x128xf32, #tpu.memory_space<hbm>> -> memref<1000000x128xf32, #tpu.memory_space<hbm>>
    tpu.enqueue_indirect_dma source(%dma_start3A_13 : memref<1000000x128xf32, #tpu.memory_space<hbm>>) target(%dma_start3A_7 : memref<128x128xf32, #tpu.memory_space<vmem>>) offsets(%dma_start3A_10 : memref<128xi32, #tpu.memory_space<vmem>>) semaphore(%arg12 : memref<!tpu.dma_semaphore, #tpu.memory_space<semaphore_mem>>)
    %dma_start3A_14 = arith.constant 1 : i32
    %dma_start3A_15 = arith.constant 128 : i32
    %dma_start3A_16 = arith.constant 0 : i32
    %dma_start3A_17 = tpu.memref_slice %arg8[%dma_start3A_15, %dma_start3A_16] : memref<512x128xf32, #tpu.memory_space<vmem>> -> memref<128x128xf32, #tpu.memory_space<vmem>>
    %dma_start3A_18 = arith.constant 0 : i32
    %dma_start3A_19 = tpu.memref_slice %arg7[%dma_start3A_14, %dma_start3A_18] : memref<4x128xi32, #tpu.memory_space<vmem>> -> memref<1x128xi32, #tpu.memory_space<vmem>>
    %dma_start3A_20 = tpu.memref_squeeze %dma_start3A_19 : memref<1x128xi32, #tpu.memory_space<vmem>> -> memref<128xi32, #tpu.memory_space<vmem>>
    %dma_start3A_21 = arith.constant 0 : i32
    %dma_start3A_22 = arith.constant 0 : i32
    %dma_start3A_23 = tpu.memref_slice %arg2[%dma_start3A_21, %dma_start3A_22] : memref<1000000x128xf32, #tpu.memory_space<hbm>> -> memref<1000000x128xf32, #tpu.memory_space<hbm>>
    tpu.enqueue_indirect_dma source(%dma_start3A_23 : memref<1000000x128xf32, #tpu.memory_space<hbm>>) target(%dma_start3A_17 : memref<128x128xf32, #tpu.memory_space<vmem>>) offsets(%dma_start3A_20 : memref<128xi32, #tpu.memory_space<vmem>>) semaphore(%arg12 : memref<!tpu.dma_semaphore, #tpu.memory_space<semaphore_mem>>)
    %dma_start3A_24 = arith.constant 2 : i32
    %dma_start3A_25 = arith.constant 256 : i32
    %dma_start3A_26 = arith.constant 0 : i32
    %dma_start3A_27 = tpu.memref_slice %arg8[%dma_start3A_25, %dma_start3A_26] : memref<512x128xf32, #tpu.memory_space<vmem>> -> memref<128x128xf32, #tpu.memory_space<vmem>>
    %dma_start3A_28 = arith.constant 0 : i32
    %dma_start3A_29 = tpu.memref_slice %arg7[%dma_start3A_24, %dma_start3A_28] : memref<4x128xi32, #tpu.memory_space<vmem>> -> memref<1x128xi32, #tpu.memory_space<vmem>>
    %dma_start3A_30 = tpu.memref_squeeze %dma_start3A_29 : memref<1x128xi32, #tpu.memory_space<vmem>> -> memref<128xi32, #tpu.memory_space<vmem>>
    %dma_start3A_31 = arith.constant 0 : i32
    %dma_start3A_32 = arith.constant 0 : i32
    %dma_start3A_33 = tpu.memref_slice %arg2[%dma_start3A_31, %dma_start3A_32] : memref<1000000x128xf32, #tpu.memory_space<hbm>> -> memref<1000000x128xf32, #tpu.memory_space<hbm>>
    tpu.enqueue_indirect_dma source(%dma_start3A_33 : memref<1000000x128xf32, #tpu.memory_space<hbm>>) target(%dma_start3A_27 : memref<128x128xf32, #tpu.memory_space<vmem>>) offsets(%dma_start3A_30 : memref<128xi32, #tpu.memory_space<vmem>>) semaphore(%arg12 : memref<!tpu.dma_semaphore, #tpu.memory_space<semaphore_mem>>)
    %dma_start3A_34 = arith.constant 3 : i32
    %dma_start3A_35 = arith.constant 384 : i32
    %dma_start3A_36 = arith.constant 0 : i32
    %dma_start3A_37 = tpu.memref_slice %arg8[%dma_start3A_35, %dma_start3A_36] : memref<512x128xf32, #tpu.memory_space<vmem>> -> memref<128x128xf32, #tpu.memory_space<vmem>>
    %dma_start3A_38 = arith.constant 0 : i32
    %dma_start3A_39 = tpu.memref_slice %arg7[%dma_start3A_34, %dma_start3A_38] : memref<4x128xi32, #tpu.memory_space<vmem>> -> memref<1x128xi32, #tpu.memory_space<vmem>>
    %dma_start3A_40 = tpu.memref_squeeze %dma_start3A_39 : memref<1x128xi32, #tpu.memory_space<vmem>> -> memref<128xi32, #tpu.memory_space<vmem>>
    %dma_start3A_41 = arith.constant 0 : i32
    %dma_start3A_42 = arith.constant 0 : i32
    %dma_start3A_43 = tpu.memref_slice %arg2[%dma_start3A_41, %dma_start3A_42] : memref<1000000x128xf32, #tpu.memory_space<hbm>> -> memref<1000000x128xf32, #tpu.memory_space<hbm>>
    tpu.enqueue_indirect_dma source(%dma_start3A_43 : memref<1000000x128xf32, #tpu.memory_space<hbm>>) target(%dma_start3A_37 : memref<128x128xf32, #tpu.memory_space<vmem>>) offsets(%dma_start3A_40 : memref<128xi32, #tpu.memory_space<vmem>>) semaphore(%arg12 : memref<!tpu.dma_semaphore, #tpu.memory_space<semaphore_mem>>)
    %dma_wait3A = arith.constant 0 : i32
    %dma_wait3A_44 = arith.constant 0 : i32
    %dma_wait3A_45 = arith.constant 0 : i32
    %dma_wait3A_46 = tpu.memref_slice %arg8[%dma_wait3A_44, %dma_wait3A_45] : memref<512x128xf32, #tpu.memory_space<vmem>> -> memref<128x128xf32, #tpu.memory_space<vmem>>
    %dma_wait3A_47 = arith.constant 0 : i32
    %dma_wait3A_48 = tpu.memref_slice %arg7[%dma_wait3A, %dma_wait3A_47] : memref<4x128xi32, #tpu.memory_space<vmem>> -> memref<1x128xi32, #tpu.memory_space<vmem>>
    %dma_wait3A_49 = tpu.memref_squeeze %dma_wait3A_48 : memref<1x128xi32, #tpu.memory_space<vmem>> -> memref<128xi32, #tpu.memory_space<vmem>>
    %dma_wait3A_50 = arith.constant 0 : i32
    %dma_wait3A_51 = arith.constant 0 : i32
    %dma_wait3A_52 = tpu.memref_slice %arg2[%dma_wait3A_50, %dma_wait3A_51] : memref<1000000x128xf32, #tpu.memory_space<hbm>> -> memref<1000000x128xf32, #tpu.memory_space<hbm>>
    tpu.wait_indirect_dma semaphore(%arg12 : memref<!tpu.dma_semaphore, #tpu.memory_space<semaphore_mem>>) src(%dma_wait3A_52 : memref<1000000x128xf32, #tpu.memory_space<hbm>>) dst(%dma_wait3A_46 : memref<128x128xf32, #tpu.memory_space<vmem>>)
    %dma_wait3A_53 = arith.constant 1 : i32
    %dma_wait3A_54 = arith.constant 128 : i32
    %dma_wait3A_55 = arith.constant 0 : i32
    %dma_wait3A_56 = tpu.memref_slice %arg8[%dma_wait3A_54, %dma_wait3A_55] : memref<512x128xf32, #tpu.memory_space<vmem>> -> memref<128x128xf32, #tpu.memory_space<vmem>>
    %dma_wait3A_57 = arith.constant 0 : i32
    %dma_wait3A_58 = tpu.memref_slice %arg7[%dma_wait3A_53, %dma_wait3A_57] : memref<4x128xi32, #tpu.memory_space<vmem>> -> memref<1x128xi32, #tpu.memory_space<vmem>>
    %dma_wait3A_59 = tpu.memref_squeeze %dma_wait3A_58 : memref<1x128xi32, #tpu.memory_space<vmem>> -> memref<128xi32, #tpu.memory_space<vmem>>
    %dma_wait3A_60 = arith.constant 0 : i32
    %dma_wait3A_61 = arith.constant 0 : i32
    %dma_wait3A_62 = tpu.memref_slice %arg2[%dma_wait3A_60, %dma_wait3A_61] : memref<1000000x128xf32, #tpu.memory_space<hbm>> -> memref<1000000x128xf32, #tpu.memory_space<hbm>>
    tpu.wait_indirect_dma semaphore(%arg12 : memref<!tpu.dma_semaphore, #tpu.memory_space<semaphore_mem>>) src(%dma_wait3A_62 : memref<1000000x128xf32, #tpu.memory_space<hbm>>) dst(%dma_wait3A_56 : memref<128x128xf32, #tpu.memory_space<vmem>>)
    %dma_wait3A_63 = arith.constant 2 : i32
    %dma_wait3A_64 = arith.constant 256 : i32
    %dma_wait3A_65 = arith.constant 0 : i32
    %dma_wait3A_66 = tpu.memref_slice %arg8[%dma_wait3A_64, %dma_wait3A_65] : memref<512x128xf32, #tpu.memory_space<vmem>> -> memref<128x128xf32, #tpu.memory_space<vmem>>
    %dma_wait3A_67 = arith.constant 0 : i32
    %dma_wait3A_68 = tpu.memref_slice %arg7[%dma_wait3A_63, %dma_wait3A_67] : memref<4x128xi32, #tpu.memory_space<vmem>> -> memref<1x128xi32, #tpu.memory_space<vmem>>
    %dma_wait3A_69 = tpu.memref_squeeze %dma_wait3A_68 : memref<1x128xi32, #tpu.memory_space<vmem>> -> memref<128xi32, #tpu.memory_space<vmem>>
    %dma_wait3A_70 = arith.constant 0 : i32
    %dma_wait3A_71 = arith.constant 0 : i32
    %dma_wait3A_72 = tpu.memref_slice %arg2[%dma_wait3A_70, %dma_wait3A_71] : memref<1000000x128xf32, #tpu.memory_space<hbm>> -> memref<1000000x128xf32, #tpu.memory_space<hbm>>
    tpu.wait_indirect_dma semaphore(%arg12 : memref<!tpu.dma_semaphore, #tpu.memory_space<semaphore_mem>>) src(%dma_wait3A_72 : memref<1000000x128xf32, #tpu.memory_space<hbm>>) dst(%dma_wait3A_66 : memref<128x128xf32, #tpu.memory_space<vmem>>)
    %dma_wait3A_73 = arith.constant 3 : i32
    %dma_wait3A_74 = arith.constant 384 : i32
    %dma_wait3A_75 = arith.constant 0 : i32
    %dma_wait3A_76 = tpu.memref_slice %arg8[%dma_wait3A_74, %dma_wait3A_75] : memref<512x128xf32, #tpu.memory_space<vmem>> -> memref<128x128xf32, #tpu.memory_space<vmem>>
    %dma_wait3A_77 = arith.constant 0 : i32
    %dma_wait3A_78 = tpu.memref_slice %arg7[%dma_wait3A_73, %dma_wait3A_77] : memref<4x128xi32, #tpu.memory_space<vmem>> -> memref<1x128xi32, #tpu.memory_space<vmem>>
    %dma_wait3A_79 = tpu.memref_squeeze %dma_wait3A_78 : memref<1x128xi32, #tpu.memory_space<vmem>> -> memref<128xi32, #tpu.memory_space<vmem>>
    %dma_wait3A_80 = arith.constant 0 : i32
    %dma_wait3A_81 = arith.constant 0 : i32
    %dma_wait3A_82 = tpu.memref_slice %arg2[%dma_wait3A_80, %dma_wait3A_81] : memref<1000000x128xf32, #tpu.memory_space<hbm>> -> memref<1000000x128xf32, #tpu.memory_space<hbm>>
    tpu.wait_indirect_dma semaphore(%arg12 : memref<!tpu.dma_semaphore, #tpu.memory_space<semaphore_mem>>) src(%dma_wait3A_82 : memref<1000000x128xf32, #tpu.memory_space<hbm>>) dst(%dma_wait3A_76 : memref<128x128xf32, #tpu.memory_space<vmem>>)
    %iota3A = tpu.iota {dimensions = array<i32: 0>} : vector<16xi32>
    %eq3A = arith.constant 15 : i32
    %eq3A_83 = vector.broadcast %eq3A : i32 to vector<16xi32>
    %eq3A_84 = arith.cmpi eq, %iota3A, %eq3A_83 : vector<16xi32>
    %scan3A = arith.constant 0 : i32
    %scan3A_85 = arith.constant 512 : i32
    %scan3A_86 = arith.addi %scan3A, %scan3A_85 : i32
    %scan3A_87 = arith.constant 1 : i32
    scf.for %scan3A_94 = %scan3A to %scan3A_86 step %scan3A_87  : i32 {
      %mul3A_95 = arith.constant 1 : i32
      %mul3A_96 = arith.muli %scan3A_94, %mul3A_95 : i32
      %add3A_97 = arith.constant 0 : i32
      %add3A_98 = arith.addi %add3A_97, %mul3A_96 : i32
      %get3A = arith.index_cast %add3A_98 : i32 to index
      %get3A_99 = arith.constant 0 : index
      %get3A_100 = tpu.vector_load %arg8[%get3A, %get3A_99] {strides = array<i32>} : memref<512x128xf32, #tpu.memory_space<vmem>>, vector<16xf32>,
      %mul3A_101 = arith.constant 64 : i32
      %mul3A_102 = arith.muli %add3A_98, %mul3A_101 : i32
      %add3A_103 = arith.constant 0 : i32
      %add3A_104 = arith.addi %mul3A_102, %add3A_103 : i32
      %get3A_105 = arith.index_cast %add3A_104 : i32 to index
      %get3A_106 = tpu.vector_load %arg9[%get3A_105] {strides = array<i32>} : memref<32768xf32, #tpu.memory_space<vmem>>, vector<16xf32>,
      %mul3A_107 = arith.mulf %get3A_100, %get3A_106 : vector<16xf32>
      %get3A_108 = arith.index_cast %add3A_98 : i32 to index
      %get3A_109 = arith.constant 16 : index
      %get3A_110 = tpu.vector_load %arg8[%get3A_108, %get3A_109] {strides = array<i32>} : memref<512x128xf32, #tpu.memory_space<vmem>>, vector<16xf32>,
      %mul3A_111 = arith.constant 64 : i32
      %mul3A_112 = arith.muli %add3A_98, %mul3A_111 : i32
      %add3A_113 = arith.constant 16 : i32
      %add3A_114 = arith.addi %mul3A_112, %add3A_113 : i32
      %get3A_115 = arith.index_cast %add3A_114 : i32 to index
      %get3A_116 = tpu.vector_load %arg9[%get3A_115] {strides = array<i32>} : memref<32768xf32, #tpu.memory_space<vmem>>, vector<16xf32>,
      %mul3A_117 = arith.mulf %get3A_110, %get3A_116 : vector<16xf32>
      %add3A_118 = arith.addf %mul3A_107, %mul3A_117 : vector<16xf32>
      %get3A_119 = arith.index_cast %add3A_98 : i32 to index
      %get3A_120 = arith.constant 32 : index
      %get3A_121 = tpu.vector_load %arg8[%get3A_119, %get3A_120] {strides = array<i32>} : memref<512x128xf32, #tpu.memory_space<vmem>>, vector<16xf32>,
      %mul3A_122 = arith.constant 64 : i32
      %mul3A_123 = arith.muli %add3A_98, %mul3A_122 : i32
      %add3A_124 = arith.constant 32 : i32
      %add3A_125 = arith.addi %mul3A_123, %add3A_124 : i32
      %get3A_126 = arith.index_cast %add3A_125 : i32 to index
      %get3A_127 = tpu.vector_load %arg9[%get3A_126] {strides = array<i32>} : memref<32768xf32, #tpu.memory_space<vmem>>, vector<16xf32>,
      %mul3A_128 = arith.mulf %get3A_121, %get3A_127 : vector<16xf32>
      %add3A_129 = arith.addf %add3A_118, %mul3A_128 : vector<16xf32>
      %get3A_130 = arith.index_cast %add3A_98 : i32 to index
      %get3A_131 = arith.constant 48 : index
      %get3A_132 = tpu.vector_load %arg8[%get3A_130, %get3A_131] {strides = array<i32>} : memref<512x128xf32, #tpu.memory_space<vmem>>, vector<16xf32>,
      %mul3A_133 = arith.constant 64 : i32
      %mul3A_134 = arith.muli %add3A_98, %mul3A_133 : i32
      %add3A_135 = arith.constant 48 : i32
      %add3A_136 = arith.addi %mul3A_134, %add3A_135 : i32
      %get3A_137 = arith.index_cast %add3A_136 : i32 to index
      %get3A_138 = tpu.vector_load %arg9[%get3A_137] {strides = array<i32>} : memref<32768xf32, #tpu.memory_space<vmem>>, vector<16xf32>,
      %mul3A_139 = arith.mulf %get3A_132, %get3A_138 : vector<16xf32>
      %add3A_140 = arith.addf %add3A_129, %mul3A_139 : vector<16xf32>
      %broadcast_in_dim3A = arith.constant true
      %broadcast_in_dim3A_141 = vector.broadcast %broadcast_in_dim3A : i1 to vector<16xi1>
      %masked_cumsum3A = tpu.scan <sum>, %add3A_140 masked %broadcast_in_dim3A_141 : vector<16xf32>, vector<16xi1> -> vector<16xf32>
      %broadcast_in_dim3A_142 = vector.broadcast %add3A_98 : i32 to vector<16xi32>
      tpu.vector_store_idx %arg11[%broadcast_in_dim3A_142], %masked_cumsum3A masked %eq3A_84 : memref<512xf32, #tpu.memory_space<vmem>>[vector<16xi32>], vector<16xf32>, vector<16xi1>
    }
    %scan3A_88 = arith.constant 512 : i32
    %scan3A_89 = arith.constant 0 : i32
    %scan3A_90 = arith.constant 32 : i32
    %scan3A_91 = arith.addi %scan3A_89, %scan3A_90 : i32
    %scan3A_92 = arith.constant 1 : i32
    scf.for %scan3A_94 = %scan3A_89 to %scan3A_91 step %scan3A_92  : i32 {
      %mul3A_95 = arith.constant 1 : i32
      %mul3A_96 = arith.muli %scan3A_94, %mul3A_95 : i32
      %add3A_97 = arith.constant 0 : i32
      %add3A_98 = arith.addi %add3A_97, %mul3A_96 : i32
      %mul3A_99 = arith.constant 16 : i32
      %mul3A_100 = arith.muli %add3A_98, %mul3A_99 : i32
      %get3A = arith.index_cast %mul3A_100 : i32 to index
      %get3A_101 = tpu.vector_load %arg11[%get3A] {strides = array<i32>} : memref<512xf32, #tpu.memory_space<vmem>>, vector<16xf32>,
      %get3A_102 = arith.index_cast %mul3A_100 : i32 to index
      %get3A_103 = tpu.vector_load %arg10[%get3A_102] {strides = array<i32>} : memref<512xf32, #tpu.memory_space<vmem>>, vector<16xf32>,
      %add3A_104 = arith.addf %get3A_101, %get3A_103 : vector<16xf32>
      %swap3A = arith.index_cast %mul3A_100 : i32 to index
      %swap3A_105 = tpu.vector_load %arg11[%swap3A] {strides = array<i32>} : memref<512xf32, #tpu.memory_space<vmem>>, vector<16xf32>,
      tpu.vector_store %arg11[%swap3A], %add3A_104 {strides = array<i32>} : memref<512xf32, #tpu.memory_space<vmem>>, vector<16xf32>,
    }
    %scan3A_93 = arith.constant 32 : i32
    "tpu.region"() ({
      %run_scoped3A = tpu.sem_alloc : memref<!tpu.dma_semaphore, #tpu.memory_space<semaphore_mem>>
      %dma_start3A_94 = tpu.memref_slice %arg6[%mul3A_2] : memref<16384xf32, #tpu.memory_space<hbm>> -> memref<512xf32, #tpu.memory_space<hbm>>
      %dma_start3A_95 = tpu.memref_slice %arg6[%mul3A_2] : memref<16384xf32, #tpu.memory_space<hbm>> -> memref<512xf32, #tpu.memory_space<hbm>>
      tpu.enqueue_dma source(%arg11 : memref<512xf32, #tpu.memory_space<vmem>>) target(%dma_start3A_95 : memref<512xf32, #tpu.memory_space<hbm>>) target_semaphore(%run_scoped3A : memref<!tpu.dma_semaphore, #tpu.memory_space<semaphore_mem>>)
      %dma_wait3A_96 = tpu.memref_slice %arg6[%mul3A_2] : memref<16384xf32, #tpu.memory_space<hbm>> -> memref<512xf32, #tpu.memory_space<hbm>>
      %dma_wait3A_97 = tpu.memref_slice %arg6[%mul3A_2] : memref<16384xf32, #tpu.memory_space<hbm>> -> memref<512xf32, #tpu.memory_space<hbm>>
      tpu.wait_dma2 semaphore(%run_scoped3A : memref<!tpu.dma_semaphore, #tpu.memory_space<semaphore_mem>>) src(%arg11 : memref<512xf32, #tpu.memory_space<vmem>>) dst(%dma_wait3A_97 : memref<512xf32, #tpu.memory_space<hbm>>)
      tpu.yield
    }) : () -> ()
    return
  }
}

#map = affine_map<(d0, d1) -> (0, 0)>
#map1 = affine_map<(d0, d1) -> (0)>
#map2 = affine_map<(d0, d1) -> (0, 0, 0)>
module attributes {stable_mosaic.version = 14 : i64} {
  func.func @_pc_body(%arg0: i32, %arg1: i32, %arg2: memref<100000x64xf32, #tpu.memory_space<hbm>>, %arg3: memref<1000x64xf32, #tpu.memory_space<hbm>>, %arg4: memref<1000000xf32, #tpu.memory_space<hbm>>, %arg5: memref<100000xf32, #tpu.memory_space<hbm>>, %arg6: memref<1xf32, #tpu.memory_space<hbm>>, %arg7: memref<32x4x128xi32, #tpu.memory_space<hbm>>, %arg8: memref<32x4x128xi32, #tpu.memory_space<hbm>>, %arg9: memref<32x4x128xi32, #tpu.memory_space<hbm>>, %arg10: memref<1048576xf32, #tpu.memory_space<hbm>>, %arg11: memref<16384xf32, #tpu.memory_space<hbm>>, %arg12: memref<4x128xi32, #tpu.memory_space<vmem>>, %arg13: memref<4x128xi32, #tpu.memory_space<vmem>>, %arg14: memref<4x128xi32, #tpu.memory_space<vmem>>, %arg15: memref<512x64xf32, #tpu.memory_space<vmem>>, %arg16: memref<512x64xf32, #tpu.memory_space<vmem>>, %arg17: memref<32768xf32, #tpu.memory_space<vmem>>, %arg18: memref<512xf32, #tpu.memory_space<vmem>>, %arg19: memref<512xf32, #tpu.memory_space<vmem>>, %arg20: memref<16xf32, #tpu.memory_space<vmem>>, %arg21: memref<512xf32, #tpu.memory_space<vmem>>, %arg22: memref<!tpu.dma_semaphore, #tpu.memory_space<semaphore_mem>>) attributes {dimension_semantics = [#tpu.dimension_semantics<core_parallel>, #tpu.dimension_semantics<subcore_parallel>], iteration_bounds = array<i64: 2, 16>, scalar_prefetch = 0 : i64, scratch_operands = 11 : i64, tpu.core_type = #tpu.core_type<sc_vector_subcore>, window_params = [{transform_indices = #map}, {transform_indices = #map}, {transform_indices = #map1}, {transform_indices = #map1}, {transform_indices = #map1}, {transform_indices = #map2}, {transform_indices = #map2}, {transform_indices = #map2}, {transform_indices = #map1}, {transform_indices = #map1}]} {
    %mul3A = arith.constant 2 : i32
    %mul3A_0 = arith.muli %arg1, %mul3A : i32
    %add3A = arith.addi %mul3A_0, %arg0 : i32
    %mul3A_1 = arith.constant 512 : i32
    %mul3A_2 = arith.muli %add3A, %mul3A_1 : i32
    "tpu.region"() ({
      %run_scoped3A = tpu.sem_alloc : memref<!tpu.dma_semaphore, #tpu.memory_space<semaphore_mem>>
      %dma_start3A_301 = arith.constant 0 : i32
      %dma_start3A_302 = arith.constant 0 : i32
      %dma_start3A_303 = tpu.memref_slice %arg7[%add3A, %dma_start3A_301, %dma_start3A_302] : memref<32x4x128xi32, #tpu.memory_space<hbm>> -> memref<1x4x128xi32, #tpu.memory_space<hbm>>
      %dma_start3A_304 = tpu.memref_squeeze %dma_start3A_303 : memref<1x4x128xi32, #tpu.memory_space<hbm>> -> memref<4x128xi32, #tpu.memory_space<hbm>>
      %dma_start3A_305 = arith.constant 0 : i32
      %dma_start3A_306 = arith.constant 0 : i32
      %dma_start3A_307 = tpu.memref_slice %arg7[%add3A, %dma_start3A_305, %dma_start3A_306] : memref<32x4x128xi32, #tpu.memory_space<hbm>> -> memref<1x4x128xi32, #tpu.memory_space<hbm>>
      %dma_start3A_308 = tpu.memref_squeeze %dma_start3A_307 : memref<1x4x128xi32, #tpu.memory_space<hbm>> -> memref<4x128xi32, #tpu.memory_space<hbm>>
      tpu.enqueue_dma source(%dma_start3A_308 : memref<4x128xi32, #tpu.memory_space<hbm>>) target(%arg12 : memref<4x128xi32, #tpu.memory_space<vmem>>) target_semaphore(%run_scoped3A : memref<!tpu.dma_semaphore, #tpu.memory_space<semaphore_mem>>)
      %dma_wait3A_309 = arith.constant 0 : i32
      %dma_wait3A_310 = arith.constant 0 : i32
      %dma_wait3A_311 = tpu.memref_slice %arg7[%add3A, %dma_wait3A_309, %dma_wait3A_310] : memref<32x4x128xi32, #tpu.memory_space<hbm>> -> memref<1x4x128xi32, #tpu.memory_space<hbm>>
      %dma_wait3A_312 = tpu.memref_squeeze %dma_wait3A_311 : memref<1x4x128xi32, #tpu.memory_space<hbm>> -> memref<4x128xi32, #tpu.memory_space<hbm>>
      %dma_wait3A_313 = arith.constant 0 : i32
      %dma_wait3A_314 = arith.constant 0 : i32
      %dma_wait3A_315 = tpu.memref_slice %arg7[%add3A, %dma_wait3A_313, %dma_wait3A_314] : memref<32x4x128xi32, #tpu.memory_space<hbm>> -> memref<1x4x128xi32, #tpu.memory_space<hbm>>
      %dma_wait3A_316 = tpu.memref_squeeze %dma_wait3A_315 : memref<1x4x128xi32, #tpu.memory_space<hbm>> -> memref<4x128xi32, #tpu.memory_space<hbm>>
      tpu.wait_dma2 semaphore(%run_scoped3A : memref<!tpu.dma_semaphore, #tpu.memory_space<semaphore_mem>>) src(%dma_wait3A_316 : memref<4x128xi32, #tpu.memory_space<hbm>>) dst(%arg12 : memref<4x128xi32, #tpu.memory_space<vmem>>)
      tpu.yield
    }) : () -> ()
    "tpu.region"() ({
      %run_scoped3A = tpu.sem_alloc : memref<!tpu.dma_semaphore, #tpu.memory_space<semaphore_mem>>
      %dma_start3A_301 = arith.constant 0 : i32
      %dma_start3A_302 = arith.constant 0 : i32
      %dma_start3A_303 = tpu.memref_slice %arg8[%add3A, %dma_start3A_301, %dma_start3A_302] : memref<32x4x128xi32, #tpu.memory_space<hbm>> -> memref<1x4x128xi32, #tpu.memory_space<hbm>>
      %dma_start3A_304 = tpu.memref_squeeze %dma_start3A_303 : memref<1x4x128xi32, #tpu.memory_space<hbm>> -> memref<4x128xi32, #tpu.memory_space<hbm>>
      %dma_start3A_305 = arith.constant 0 : i32
      %dma_start3A_306 = arith.constant 0 : i32
      %dma_start3A_307 = tpu.memref_slice %arg8[%add3A, %dma_start3A_305, %dma_start3A_306] : memref<32x4x128xi32, #tpu.memory_space<hbm>> -> memref<1x4x128xi32, #tpu.memory_space<hbm>>
      %dma_start3A_308 = tpu.memref_squeeze %dma_start3A_307 : memref<1x4x128xi32, #tpu.memory_space<hbm>> -> memref<4x128xi32, #tpu.memory_space<hbm>>
      tpu.enqueue_dma source(%dma_start3A_308 : memref<4x128xi32, #tpu.memory_space<hbm>>) target(%arg13 : memref<4x128xi32, #tpu.memory_space<vmem>>) target_semaphore(%run_scoped3A : memref<!tpu.dma_semaphore, #tpu.memory_space<semaphore_mem>>)
      %dma_wait3A_309 = arith.constant 0 : i32
      %dma_wait3A_310 = arith.constant 0 : i32
      %dma_wait3A_311 = tpu.memref_slice %arg8[%add3A, %dma_wait3A_309, %dma_wait3A_310] : memref<32x4x128xi32, #tpu.memory_space<hbm>> -> memref<1x4x128xi32, #tpu.memory_space<hbm>>
      %dma_wait3A_312 = tpu.memref_squeeze %dma_wait3A_311 : memref<1x4x128xi32, #tpu.memory_space<hbm>> -> memref<4x128xi32, #tpu.memory_space<hbm>>
      %dma_wait3A_313 = arith.constant 0 : i32
      %dma_wait3A_314 = arith.constant 0 : i32
      %dma_wait3A_315 = tpu.memref_slice %arg8[%add3A, %dma_wait3A_313, %dma_wait3A_314] : memref<32x4x128xi32, #tpu.memory_space<hbm>> -> memref<1x4x128xi32, #tpu.memory_space<hbm>>
      %dma_wait3A_316 = tpu.memref_squeeze %dma_wait3A_315 : memref<1x4x128xi32, #tpu.memory_space<hbm>> -> memref<4x128xi32, #tpu.memory_space<hbm>>
      tpu.wait_dma2 semaphore(%run_scoped3A : memref<!tpu.dma_semaphore, #tpu.memory_space<semaphore_mem>>) src(%dma_wait3A_316 : memref<4x128xi32, #tpu.memory_space<hbm>>) dst(%arg13 : memref<4x128xi32, #tpu.memory_space<vmem>>)
      tpu.yield
    }) : () -> ()
    "tpu.region"() ({
      %run_scoped3A = tpu.sem_alloc : memref<!tpu.dma_semaphore, #tpu.memory_space<semaphore_mem>>
      %dma_start3A_301 = arith.constant 0 : i32
      %dma_start3A_302 = arith.constant 0 : i32
      %dma_start3A_303 = tpu.memref_slice %arg9[%add3A, %dma_start3A_301, %dma_start3A_302] : memref<32x4x128xi32, #tpu.memory_space<hbm>> -> memref<1x4x128xi32, #tpu.memory_space<hbm>>
      %dma_start3A_304 = tpu.memref_squeeze %dma_start3A_303 : memref<1x4x128xi32, #tpu.memory_space<hbm>> -> memref<4x128xi32, #tpu.memory_space<hbm>>
      %dma_start3A_305 = arith.constant 0 : i32
      %dma_start3A_306 = arith.constant 0 : i32
      %dma_start3A_307 = tpu.memref_slice %arg9[%add3A, %dma_start3A_305, %dma_start3A_306] : memref<32x4x128xi32, #tpu.memory_space<hbm>> -> memref<1x4x128xi32, #tpu.memory_space<hbm>>
      %dma_start3A_308 = tpu.memref_squeeze %dma_start3A_307 : memref<1x4x128xi32, #tpu.memory_space<hbm>> -> memref<4x128xi32, #tpu.memory_space<hbm>>
      tpu.enqueue_dma source(%dma_start3A_308 : memref<4x128xi32, #tpu.memory_space<hbm>>) target(%arg14 : memref<4x128xi32, #tpu.memory_space<vmem>>) target_semaphore(%run_scoped3A : memref<!tpu.dma_semaphore, #tpu.memory_space<semaphore_mem>>)
      %dma_wait3A_309 = arith.constant 0 : i32
      %dma_wait3A_310 = arith.constant 0 : i32
      %dma_wait3A_311 = tpu.memref_slice %arg9[%add3A, %dma_wait3A_309, %dma_wait3A_310] : memref<32x4x128xi32, #tpu.memory_space<hbm>> -> memref<1x4x128xi32, #tpu.memory_space<hbm>>
      %dma_wait3A_312 = tpu.memref_squeeze %dma_wait3A_311 : memref<1x4x128xi32, #tpu.memory_space<hbm>> -> memref<4x128xi32, #tpu.memory_space<hbm>>
      %dma_wait3A_313 = arith.constant 0 : i32
      %dma_wait3A_314 = arith.constant 0 : i32
      %dma_wait3A_315 = tpu.memref_slice %arg9[%add3A, %dma_wait3A_313, %dma_wait3A_314] : memref<32x4x128xi32, #tpu.memory_space<hbm>> -> memref<1x4x128xi32, #tpu.memory_space<hbm>>
      %dma_wait3A_316 = tpu.memref_squeeze %dma_wait3A_315 : memref<1x4x128xi32, #tpu.memory_space<hbm>> -> memref<4x128xi32, #tpu.memory_space<hbm>>
      tpu.wait_dma2 semaphore(%run_scoped3A : memref<!tpu.dma_semaphore, #tpu.memory_space<semaphore_mem>>) src(%dma_wait3A_316 : memref<4x128xi32, #tpu.memory_space<hbm>>) dst(%arg14 : memref<4x128xi32, #tpu.memory_space<vmem>>)
      tpu.yield
    }) : () -> ()
    "tpu.region"() ({
      %run_scoped3A = tpu.sem_alloc : memref<!tpu.dma_semaphore, #tpu.memory_space<semaphore_mem>>
      %dma_start3A_301 = arith.constant 0 : i32
      %dma_start3A_302 = tpu.memref_slice %arg20[%dma_start3A_301] : memref<16xf32, #tpu.memory_space<vmem>> -> memref<1xf32, #tpu.memory_space<vmem>>
      %dma_start3A_303 = arith.constant 0 : i32
      %dma_start3A_304 = tpu.memref_slice %arg20[%dma_start3A_303] : memref<16xf32, #tpu.memory_space<vmem>> -> memref<1xf32, #tpu.memory_space<vmem>>
      tpu.enqueue_dma source(%arg6 : memref<1xf32, #tpu.memory_space<hbm>>) target(%dma_start3A_304 : memref<1xf32, #tpu.memory_space<vmem>>) target_semaphore(%run_scoped3A : memref<!tpu.dma_semaphore, #tpu.memory_space<semaphore_mem>>)
      %dma_wait3A_305 = arith.constant 0 : i32
      %dma_wait3A_306 = tpu.memref_slice %arg20[%dma_wait3A_305] : memref<16xf32, #tpu.memory_space<vmem>> -> memref<1xf32, #tpu.memory_space<vmem>>
      %dma_wait3A_307 = arith.constant 0 : i32
      %dma_wait3A_308 = tpu.memref_slice %arg20[%dma_wait3A_307] : memref<16xf32, #tpu.memory_space<vmem>> -> memref<1xf32, #tpu.memory_space<vmem>>
      tpu.wait_dma2 semaphore(%run_scoped3A : memref<!tpu.dma_semaphore, #tpu.memory_space<semaphore_mem>>) src(%arg6 : memref<1xf32, #tpu.memory_space<hbm>>) dst(%dma_wait3A_308 : memref<1xf32, #tpu.memory_space<vmem>>)
      tpu.yield
    }) : () -> ()
    %dma_start3A = arith.constant 0 : i32
    %dma_start3A_3 = arith.constant 0 : i32
    %dma_start3A_4 = arith.constant 0 : i32
    %dma_start3A_5 = tpu.memref_slice %arg15[%dma_start3A_3, %dma_start3A_4] : memref<512x64xf32, #tpu.memory_space<vmem>> -> memref<128x64xf32, #tpu.memory_space<vmem>>
    %dma_start3A_6 = arith.constant 0 : i32
    %dma_start3A_7 = tpu.memref_slice %arg13[%dma_start3A, %dma_start3A_6] : memref<4x128xi32, #tpu.memory_space<vmem>> -> memref<1x128xi32, #tpu.memory_space<vmem>>
    %dma_start3A_8 = tpu.memref_squeeze %dma_start3A_7 : memref<1x128xi32, #tpu.memory_space<vmem>> -> memref<128xi32, #tpu.memory_space<vmem>>
    %dma_start3A_9 = arith.constant 0 : i32
    %dma_start3A_10 = arith.constant 0 : i32
    %dma_start3A_11 = tpu.memref_slice %arg2[%dma_start3A_9, %dma_start3A_10] : memref<100000x64xf32, #tpu.memory_space<hbm>> -> memref<100000x64xf32, #tpu.memory_space<hbm>>
    tpu.enqueue_indirect_dma source(%dma_start3A_11 : memref<100000x64xf32, #tpu.memory_space<hbm>>) target(%dma_start3A_5 : memref<128x64xf32, #tpu.memory_space<vmem>>) offsets(%dma_start3A_8 : memref<128xi32, #tpu.memory_space<vmem>>) semaphore(%arg22 : memref<!tpu.dma_semaphore, #tpu.memory_space<semaphore_mem>>)
    %dma_start3A_12 = arith.constant 0 : i32
    %dma_start3A_13 = arith.constant 0 : i32
    %dma_start3A_14 = arith.constant 0 : i32
    %dma_start3A_15 = tpu.memref_slice %arg16[%dma_start3A_13, %dma_start3A_14] : memref<512x64xf32, #tpu.memory_space<vmem>> -> memref<128x64xf32, #tpu.memory_space<vmem>>
    %dma_start3A_16 = arith.constant 0 : i32
    %dma_start3A_17 = tpu.memref_slice %arg14[%dma_start3A_12, %dma_start3A_16] : memref<4x128xi32, #tpu.memory_space<vmem>> -> memref<1x128xi32, #tpu.memory_space<vmem>>
    %dma_start3A_18 = tpu.memref_squeeze %dma_start3A_17 : memref<1x128xi32, #tpu.memory_space<vmem>> -> memref<128xi32, #tpu.memory_space<vmem>>
    %dma_start3A_19 = arith.constant 0 : i32
    %dma_start3A_20 = arith.constant 0 : i32
    %dma_start3A_21 = tpu.memref_slice %arg3[%dma_start3A_19, %dma_start3A_20] : memref<1000x64xf32, #tpu.memory_space<hbm>> -> memref<1000x64xf32, #tpu.memory_space<hbm>>
    tpu.enqueue_indirect_dma source(%dma_start3A_21 : memref<1000x64xf32, #tpu.memory_space<hbm>>) target(%dma_start3A_15 : memref<128x64xf32, #tpu.memory_space<vmem>>) offsets(%dma_start3A_18 : memref<128xi32, #tpu.memory_space<vmem>>) semaphore(%arg22 : memref<!tpu.dma_semaphore, #tpu.memory_space<semaphore_mem>>)
    %dma_start3A_22 = arith.constant 0 : i32
    %dma_start3A_23 = arith.constant 0 : i32
    %dma_start3A_24 = tpu.memref_slice %arg18[%dma_start3A_23] : memref<512xf32, #tpu.memory_space<vmem>> -> memref<128xf32, #tpu.memory_space<vmem>>
    %dma_start3A_25 = arith.constant 0 : i32
    %dma_start3A_26 = tpu.memref_slice %arg12[%dma_start3A_22, %dma_start3A_25] : memref<4x128xi32, #tpu.memory_space<vmem>> -> memref<1x128xi32, #tpu.memory_space<vmem>>
    %dma_start3A_27 = tpu.memref_squeeze %dma_start3A_26 : memref<1x128xi32, #tpu.memory_space<vmem>> -> memref<128xi32, #tpu.memory_space<vmem>>
    %dma_start3A_28 = arith.constant 0 : i32
    %dma_start3A_29 = tpu.memref_slice %arg4[%dma_start3A_28] : memref<1000000xf32, #tpu.memory_space<hbm>> -> memref<1000000xf32, #tpu.memory_space<hbm>>
    tpu.enqueue_indirect_dma source(%dma_start3A_29 : memref<1000000xf32, #tpu.memory_space<hbm>>) target(%dma_start3A_24 : memref<128xf32, #tpu.memory_space<vmem>>) offsets(%dma_start3A_27 : memref<128xi32, #tpu.memory_space<vmem>>) semaphore(%arg22 : memref<!tpu.dma_semaphore, #tpu.memory_space<semaphore_mem>>)
    %dma_start3A_30 = arith.constant 0 : i32
    %dma_start3A_31 = arith.constant 0 : i32
    %dma_start3A_32 = tpu.memref_slice %arg19[%dma_start3A_31] : memref<512xf32, #tpu.memory_space<vmem>> -> memref<128xf32, #tpu.memory_space<vmem>>
    %dma_start3A_33 = arith.constant 0 : i32
    %dma_start3A_34 = tpu.memref_slice %arg13[%dma_start3A_30, %dma_start3A_33] : memref<4x128xi32, #tpu.memory_space<vmem>> -> memref<1x128xi32, #tpu.memory_space<vmem>>
    %dma_start3A_35 = tpu.memref_squeeze %dma_start3A_34 : memref<1x128xi32, #tpu.memory_space<vmem>> -> memref<128xi32, #tpu.memory_space<vmem>>
    %dma_start3A_36 = arith.constant 0 : i32
    %dma_start3A_37 = tpu.memref_slice %arg5[%dma_start3A_36] : memref<100000xf32, #tpu.memory_space<hbm>> -> memref<100000xf32, #tpu.memory_space<hbm>>
    tpu.enqueue_indirect_dma source(%dma_start3A_37 : memref<100000xf32, #tpu.memory_space<hbm>>) target(%dma_start3A_32 : memref<128xf32, #tpu.memory_space<vmem>>) offsets(%dma_start3A_35 : memref<128xi32, #tpu.memory_space<vmem>>) semaphore(%arg22 : memref<!tpu.dma_semaphore, #tpu.memory_space<semaphore_mem>>)
    %dma_start3A_38 = arith.constant 1 : i32
    %dma_start3A_39 = arith.constant 128 : i32
    %dma_start3A_40 = arith.constant 0 : i32
    %dma_start3A_41 = tpu.memref_slice %arg15[%dma_start3A_39, %dma_start3A_40] : memref<512x64xf32, #tpu.memory_space<vmem>> -> memref<128x64xf32, #tpu.memory_space<vmem>>
    %dma_start3A_42 = arith.constant 0 : i32
    %dma_start3A_43 = tpu.memref_slice %arg13[%dma_start3A_38, %dma_start3A_42] : memref<4x128xi32, #tpu.memory_space<vmem>> -> memref<1x128xi32, #tpu.memory_space<vmem>>
    %dma_start3A_44 = tpu.memref_squeeze %dma_start3A_43 : memref<1x128xi32, #tpu.memory_space<vmem>> -> memref<128xi32, #tpu.memory_space<vmem>>
    %dma_start3A_45 = arith.constant 0 : i32
    %dma_start3A_46 = arith.constant 0 : i32
    %dma_start3A_47 = tpu.memref_slice %arg2[%dma_start3A_45, %dma_start3A_46] : memref<100000x64xf32, #tpu.memory_space<hbm>> -> memref<100000x64xf32, #tpu.memory_space<hbm>>
    tpu.enqueue_indirect_dma source(%dma_start3A_47 : memref<100000x64xf32, #tpu.memory_space<hbm>>) target(%dma_start3A_41 : memref<128x64xf32, #tpu.memory_space<vmem>>) offsets(%dma_start3A_44 : memref<128xi32, #tpu.memory_space<vmem>>) semaphore(%arg22 : memref<!tpu.dma_semaphore, #tpu.memory_space<semaphore_mem>>)
    %dma_start3A_48 = arith.constant 1 : i32
    %dma_start3A_49 = arith.constant 128 : i32
    %dma_start3A_50 = arith.constant 0 : i32
    %dma_start3A_51 = tpu.memref_slice %arg16[%dma_start3A_49, %dma_start3A_50] : memref<512x64xf32, #tpu.memory_space<vmem>> -> memref<128x64xf32, #tpu.memory_space<vmem>>
    %dma_start3A_52 = arith.constant 0 : i32
    %dma_start3A_53 = tpu.memref_slice %arg14[%dma_start3A_48, %dma_start3A_52] : memref<4x128xi32, #tpu.memory_space<vmem>> -> memref<1x128xi32, #tpu.memory_space<vmem>>
    %dma_start3A_54 = tpu.memref_squeeze %dma_start3A_53 : memref<1x128xi32, #tpu.memory_space<vmem>> -> memref<128xi32, #tpu.memory_space<vmem>>
    %dma_start3A_55 = arith.constant 0 : i32
    %dma_start3A_56 = arith.constant 0 : i32
    %dma_start3A_57 = tpu.memref_slice %arg3[%dma_start3A_55, %dma_start3A_56] : memref<1000x64xf32, #tpu.memory_space<hbm>> -> memref<1000x64xf32, #tpu.memory_space<hbm>>
    tpu.enqueue_indirect_dma source(%dma_start3A_57 : memref<1000x64xf32, #tpu.memory_space<hbm>>) target(%dma_start3A_51 : memref<128x64xf32, #tpu.memory_space<vmem>>) offsets(%dma_start3A_54 : memref<128xi32, #tpu.memory_space<vmem>>) semaphore(%arg22 : memref<!tpu.dma_semaphore, #tpu.memory_space<semaphore_mem>>)
    %dma_start3A_58 = arith.constant 1 : i32
    %dma_start3A_59 = arith.constant 128 : i32
    %dma_start3A_60 = tpu.memref_slice %arg18[%dma_start3A_59] : memref<512xf32, #tpu.memory_space<vmem>> -> memref<128xf32, #tpu.memory_space<vmem>>
    %dma_start3A_61 = arith.constant 0 : i32
    %dma_start3A_62 = tpu.memref_slice %arg12[%dma_start3A_58, %dma_start3A_61] : memref<4x128xi32, #tpu.memory_space<vmem>> -> memref<1x128xi32, #tpu.memory_space<vmem>>
    %dma_start3A_63 = tpu.memref_squeeze %dma_start3A_62 : memref<1x128xi32, #tpu.memory_space<vmem>> -> memref<128xi32, #tpu.memory_space<vmem>>
    %dma_start3A_64 = arith.constant 0 : i32
    %dma_start3A_65 = tpu.memref_slice %arg4[%dma_start3A_64] : memref<1000000xf32, #tpu.memory_space<hbm>> -> memref<1000000xf32, #tpu.memory_space<hbm>>
    tpu.enqueue_indirect_dma source(%dma_start3A_65 : memref<1000000xf32, #tpu.memory_space<hbm>>) target(%dma_start3A_60 : memref<128xf32, #tpu.memory_space<vmem>>) offsets(%dma_start3A_63 : memref<128xi32, #tpu.memory_space<vmem>>) semaphore(%arg22 : memref<!tpu.dma_semaphore, #tpu.memory_space<semaphore_mem>>)
    %dma_start3A_66 = arith.constant 1 : i32
    %dma_start3A_67 = arith.constant 128 : i32
    %dma_start3A_68 = tpu.memref_slice %arg19[%dma_start3A_67] : memref<512xf32, #tpu.memory_space<vmem>> -> memref<128xf32, #tpu.memory_space<vmem>>
    %dma_start3A_69 = arith.constant 0 : i32
    %dma_start3A_70 = tpu.memref_slice %arg13[%dma_start3A_66, %dma_start3A_69] : memref<4x128xi32, #tpu.memory_space<vmem>> -> memref<1x128xi32, #tpu.memory_space<vmem>>
    %dma_start3A_71 = tpu.memref_squeeze %dma_start3A_70 : memref<1x128xi32, #tpu.memory_space<vmem>> -> memref<128xi32, #tpu.memory_space<vmem>>
    %dma_start3A_72 = arith.constant 0 : i32
    %dma_start3A_73 = tpu.memref_slice %arg5[%dma_start3A_72] : memref<100000xf32, #tpu.memory_space<hbm>> -> memref<100000xf32, #tpu.memory_space<hbm>>
    tpu.enqueue_indirect_dma source(%dma_start3A_73 : memref<100000xf32, #tpu.memory_space<hbm>>) target(%dma_start3A_68 : memref<128xf32, #tpu.memory_space<vmem>>) offsets(%dma_start3A_71 : memref<128xi32, #tpu.memory_space<vmem>>) semaphore(%arg22 : memref<!tpu.dma_semaphore, #tpu.memory_space<semaphore_mem>>)
    %dma_start3A_74 = arith.constant 2 : i32
    %dma_start3A_75 = arith.constant 256 : i32
    %dma_start3A_76 = arith.constant 0 : i32
    %dma_start3A_77 = tpu.memref_slice %arg15[%dma_start3A_75, %dma_start3A_76] : memref<512x64xf32, #tpu.memory_space<vmem>> -> memref<128x64xf32, #tpu.memory_space<vmem>>
    %dma_start3A_78 = arith.constant 0 : i32
    %dma_start3A_79 = tpu.memref_slice %arg13[%dma_start3A_74, %dma_start3A_78] : memref<4x128xi32, #tpu.memory_space<vmem>> -> memref<1x128xi32, #tpu.memory_space<vmem>>
    %dma_start3A_80 = tpu.memref_squeeze %dma_start3A_79 : memref<1x128xi32, #tpu.memory_space<vmem>> -> memref<128xi32, #tpu.memory_space<vmem>>
    %dma_start3A_81 = arith.constant 0 : i32
    %dma_start3A_82 = arith.constant 0 : i32
    %dma_start3A_83 = tpu.memref_slice %arg2[%dma_start3A_81, %dma_start3A_82] : memref<100000x64xf32, #tpu.memory_space<hbm>> -> memref<100000x64xf32, #tpu.memory_space<hbm>>
    tpu.enqueue_indirect_dma source(%dma_start3A_83 : memref<100000x64xf32, #tpu.memory_space<hbm>>) target(%dma_start3A_77 : memref<128x64xf32, #tpu.memory_space<vmem>>) offsets(%dma_start3A_80 : memref<128xi32, #tpu.memory_space<vmem>>) semaphore(%arg22 : memref<!tpu.dma_semaphore, #tpu.memory_space<semaphore_mem>>)
    %dma_start3A_84 = arith.constant 2 : i32
    %dma_start3A_85 = arith.constant 256 : i32
    %dma_start3A_86 = arith.constant 0 : i32
    %dma_start3A_87 = tpu.memref_slice %arg16[%dma_start3A_85, %dma_start3A_86] : memref<512x64xf32, #tpu.memory_space<vmem>> -> memref<128x64xf32, #tpu.memory_space<vmem>>
    %dma_start3A_88 = arith.constant 0 : i32
    %dma_start3A_89 = tpu.memref_slice %arg14[%dma_start3A_84, %dma_start3A_88] : memref<4x128xi32, #tpu.memory_space<vmem>> -> memref<1x128xi32, #tpu.memory_space<vmem>>
    %dma_start3A_90 = tpu.memref_squeeze %dma_start3A_89 : memref<1x128xi32, #tpu.memory_space<vmem>> -> memref<128xi32, #tpu.memory_space<vmem>>
    %dma_start3A_91 = arith.constant 0 : i32
    %dma_start3A_92 = arith.constant 0 : i32
    %dma_start3A_93 = tpu.memref_slice %arg3[%dma_start3A_91, %dma_start3A_92] : memref<1000x64xf32, #tpu.memory_space<hbm>> -> memref<1000x64xf32, #tpu.memory_space<hbm>>
    tpu.enqueue_indirect_dma source(%dma_start3A_93 : memref<1000x64xf32, #tpu.memory_space<hbm>>) target(%dma_start3A_87 : memref<128x64xf32, #tpu.memory_space<vmem>>) offsets(%dma_start3A_90 : memref<128xi32, #tpu.memory_space<vmem>>) semaphore(%arg22 : memref<!tpu.dma_semaphore, #tpu.memory_space<semaphore_mem>>)
    %dma_start3A_94 = arith.constant 2 : i32
    %dma_start3A_95 = arith.constant 256 : i32
    %dma_start3A_96 = tpu.memref_slice %arg18[%dma_start3A_95] : memref<512xf32, #tpu.memory_space<vmem>> -> memref<128xf32, #tpu.memory_space<vmem>>
    %dma_start3A_97 = arith.constant 0 : i32
    %dma_start3A_98 = tpu.memref_slice %arg12[%dma_start3A_94, %dma_start3A_97] : memref<4x128xi32, #tpu.memory_space<vmem>> -> memref<1x128xi32, #tpu.memory_space<vmem>>
    %dma_start3A_99 = tpu.memref_squeeze %dma_start3A_98 : memref<1x128xi32, #tpu.memory_space<vmem>> -> memref<128xi32, #tpu.memory_space<vmem>>
    %dma_start3A_100 = arith.constant 0 : i32
    %dma_start3A_101 = tpu.memref_slice %arg4[%dma_start3A_100] : memref<1000000xf32, #tpu.memory_space<hbm>> -> memref<1000000xf32, #tpu.memory_space<hbm>>
    tpu.enqueue_indirect_dma source(%dma_start3A_101 : memref<1000000xf32, #tpu.memory_space<hbm>>) target(%dma_start3A_96 : memref<128xf32, #tpu.memory_space<vmem>>) offsets(%dma_start3A_99 : memref<128xi32, #tpu.memory_space<vmem>>) semaphore(%arg22 : memref<!tpu.dma_semaphore, #tpu.memory_space<semaphore_mem>>)
    %dma_start3A_102 = arith.constant 2 : i32
    %dma_start3A_103 = arith.constant 256 : i32
    %dma_start3A_104 = tpu.memref_slice %arg19[%dma_start3A_103] : memref<512xf32, #tpu.memory_space<vmem>> -> memref<128xf32, #tpu.memory_space<vmem>>
    %dma_start3A_105 = arith.constant 0 : i32
    %dma_start3A_106 = tpu.memref_slice %arg13[%dma_start3A_102, %dma_start3A_105] : memref<4x128xi32, #tpu.memory_space<vmem>> -> memref<1x128xi32, #tpu.memory_space<vmem>>
    %dma_start3A_107 = tpu.memref_squeeze %dma_start3A_106 : memref<1x128xi32, #tpu.memory_space<vmem>> -> memref<128xi32, #tpu.memory_space<vmem>>
    %dma_start3A_108 = arith.constant 0 : i32
    %dma_start3A_109 = tpu.memref_slice %arg5[%dma_start3A_108] : memref<100000xf32, #tpu.memory_space<hbm>> -> memref<100000xf32, #tpu.memory_space<hbm>>
    tpu.enqueue_indirect_dma source(%dma_start3A_109 : memref<100000xf32, #tpu.memory_space<hbm>>) target(%dma_start3A_104 : memref<128xf32, #tpu.memory_space<vmem>>) offsets(%dma_start3A_107 : memref<128xi32, #tpu.memory_space<vmem>>) semaphore(%arg22 : memref<!tpu.dma_semaphore, #tpu.memory_space<semaphore_mem>>)
    %dma_start3A_110 = arith.constant 3 : i32
    %dma_start3A_111 = arith.constant 384 : i32
    %dma_start3A_112 = arith.constant 0 : i32
    %dma_start3A_113 = tpu.memref_slice %arg15[%dma_start3A_111, %dma_start3A_112] : memref<512x64xf32, #tpu.memory_space<vmem>> -> memref<128x64xf32, #tpu.memory_space<vmem>>
    %dma_start3A_114 = arith.constant 0 : i32
    %dma_start3A_115 = tpu.memref_slice %arg13[%dma_start3A_110, %dma_start3A_114] : memref<4x128xi32, #tpu.memory_space<vmem>> -> memref<1x128xi32, #tpu.memory_space<vmem>>
    %dma_start3A_116 = tpu.memref_squeeze %dma_start3A_115 : memref<1x128xi32, #tpu.memory_space<vmem>> -> memref<128xi32, #tpu.memory_space<vmem>>
    %dma_start3A_117 = arith.constant 0 : i32
    %dma_start3A_118 = arith.constant 0 : i32
    %dma_start3A_119 = tpu.memref_slice %arg2[%dma_start3A_117, %dma_start3A_118] : memref<100000x64xf32, #tpu.memory_space<hbm>> -> memref<100000x64xf32, #tpu.memory_space<hbm>>
    tpu.enqueue_indirect_dma source(%dma_start3A_119 : memref<100000x64xf32, #tpu.memory_space<hbm>>) target(%dma_start3A_113 : memref<128x64xf32, #tpu.memory_space<vmem>>) offsets(%dma_start3A_116 : memref<128xi32, #tpu.memory_space<vmem>>) semaphore(%arg22 : memref<!tpu.dma_semaphore, #tpu.memory_space<semaphore_mem>>)
    %dma_start3A_120 = arith.constant 3 : i32
    %dma_start3A_121 = arith.constant 384 : i32
    %dma_start3A_122 = arith.constant 0 : i32
    %dma_start3A_123 = tpu.memref_slice %arg16[%dma_start3A_121, %dma_start3A_122] : memref<512x64xf32, #tpu.memory_space<vmem>> -> memref<128x64xf32, #tpu.memory_space<vmem>>
    %dma_start3A_124 = arith.constant 0 : i32
    %dma_start3A_125 = tpu.memref_slice %arg14[%dma_start3A_120, %dma_start3A_124] : memref<4x128xi32, #tpu.memory_space<vmem>> -> memref<1x128xi32, #tpu.memory_space<vmem>>
    %dma_start3A_126 = tpu.memref_squeeze %dma_start3A_125 : memref<1x128xi32, #tpu.memory_space<vmem>> -> memref<128xi32, #tpu.memory_space<vmem>>
    %dma_start3A_127 = arith.constant 0 : i32
    %dma_start3A_128 = arith.constant 0 : i32
    %dma_start3A_129 = tpu.memref_slice %arg3[%dma_start3A_127, %dma_start3A_128] : memref<1000x64xf32, #tpu.memory_space<hbm>> -> memref<1000x64xf32, #tpu.memory_space<hbm>>
    tpu.enqueue_indirect_dma source(%dma_start3A_129 : memref<1000x64xf32, #tpu.memory_space<hbm>>) target(%dma_start3A_123 : memref<128x64xf32, #tpu.memory_space<vmem>>) offsets(%dma_start3A_126 : memref<128xi32, #tpu.memory_space<vmem>>) semaphore(%arg22 : memref<!tpu.dma_semaphore, #tpu.memory_space<semaphore_mem>>)
    %dma_start3A_130 = arith.constant 3 : i32
    %dma_start3A_131 = arith.constant 384 : i32
    %dma_start3A_132 = tpu.memref_slice %arg18[%dma_start3A_131] : memref<512xf32, #tpu.memory_space<vmem>> -> memref<128xf32, #tpu.memory_space<vmem>>
    %dma_start3A_133 = arith.constant 0 : i32
    %dma_start3A_134 = tpu.memref_slice %arg12[%dma_start3A_130, %dma_start3A_133] : memref<4x128xi32, #tpu.memory_space<vmem>> -> memref<1x128xi32, #tpu.memory_space<vmem>>
    %dma_start3A_135 = tpu.memref_squeeze %dma_start3A_134 : memref<1x128xi32, #tpu.memory_space<vmem>> -> memref<128xi32, #tpu.memory_space<vmem>>
    %dma_start3A_136 = arith.constant 0 : i32
    %dma_start3A_137 = tpu.memref_slice %arg4[%dma_start3A_136] : memref<1000000xf32, #tpu.memory_space<hbm>> -> memref<1000000xf32, #tpu.memory_space<hbm>>
    tpu.enqueue_indirect_dma source(%dma_start3A_137 : memref<1000000xf32, #tpu.memory_space<hbm>>) target(%dma_start3A_132 : memref<128xf32, #tpu.memory_space<vmem>>) offsets(%dma_start3A_135 : memref<128xi32, #tpu.memory_space<vmem>>) semaphore(%arg22 : memref<!tpu.dma_semaphore, #tpu.memory_space<semaphore_mem>>)
    %dma_start3A_138 = arith.constant 3 : i32
    %dma_start3A_139 = arith.constant 384 : i32
    %dma_start3A_140 = tpu.memref_slice %arg19[%dma_start3A_139] : memref<512xf32, #tpu.memory_space<vmem>> -> memref<128xf32, #tpu.memory_space<vmem>>
    %dma_start3A_141 = arith.constant 0 : i32
    %dma_start3A_142 = tpu.memref_slice %arg13[%dma_start3A_138, %dma_start3A_141] : memref<4x128xi32, #tpu.memory_space<vmem>> -> memref<1x128xi32, #tpu.memory_space<vmem>>
    %dma_start3A_143 = tpu.memref_squeeze %dma_start3A_142 : memref<1x128xi32, #tpu.memory_space<vmem>> -> memref<128xi32, #tpu.memory_space<vmem>>
    %dma_start3A_144 = arith.constant 0 : i32
    %dma_start3A_145 = tpu.memref_slice %arg5[%dma_start3A_144] : memref<100000xf32, #tpu.memory_space<hbm>> -> memref<100000xf32, #tpu.memory_space<hbm>>
    tpu.enqueue_indirect_dma source(%dma_start3A_145 : memref<100000xf32, #tpu.memory_space<hbm>>) target(%dma_start3A_140 : memref<128xf32, #tpu.memory_space<vmem>>) offsets(%dma_start3A_143 : memref<128xi32, #tpu.memory_space<vmem>>) semaphore(%arg22 : memref<!tpu.dma_semaphore, #tpu.memory_space<semaphore_mem>>)
    %dma_wait3A = arith.constant 0 : i32
    %dma_wait3A_146 = arith.constant 0 : i32
    %dma_wait3A_147 = arith.constant 0 : i32
    %dma_wait3A_148 = tpu.memref_slice %arg15[%dma_wait3A_146, %dma_wait3A_147] : memref<512x64xf32, #tpu.memory_space<vmem>> -> memref<128x64xf32, #tpu.memory_space<vmem>>
    %dma_wait3A_149 = arith.constant 0 : i32
    %dma_wait3A_150 = tpu.memref_slice %arg13[%dma_wait3A, %dma_wait3A_149] : memref<4x128xi32, #tpu.memory_space<vmem>> -> memref<1x128xi32, #tpu.memory_space<vmem>>
    %dma_wait3A_151 = tpu.memref_squeeze %dma_wait3A_150 : memref<1x128xi32, #tpu.memory_space<vmem>> -> memref<128xi32, #tpu.memory_space<vmem>>
    %dma_wait3A_152 = arith.constant 0 : i32
    %dma_wait3A_153 = arith.constant 0 : i32
    %dma_wait3A_154 = tpu.memref_slice %arg2[%dma_wait3A_152, %dma_wait3A_153] : memref<100000x64xf32, #tpu.memory_space<hbm>> -> memref<100000x64xf32, #tpu.memory_space<hbm>>
    tpu.wait_indirect_dma semaphore(%arg22 : memref<!tpu.dma_semaphore, #tpu.memory_space<semaphore_mem>>) src(%dma_wait3A_154 : memref<100000x64xf32, #tpu.memory_space<hbm>>) dst(%dma_wait3A_148 : memref<128x64xf32, #tpu.memory_space<vmem>>)
    %dma_wait3A_155 = arith.constant 0 : i32
    %dma_wait3A_156 = arith.constant 0 : i32
    %dma_wait3A_157 = arith.constant 0 : i32
    %dma_wait3A_158 = tpu.memref_slice %arg16[%dma_wait3A_156, %dma_wait3A_157] : memref<512x64xf32, #tpu.memory_space<vmem>> -> memref<128x64xf32, #tpu.memory_space<vmem>>
    %dma_wait3A_159 = arith.constant 0 : i32
    %dma_wait3A_160 = tpu.memref_slice %arg14[%dma_wait3A_155, %dma_wait3A_159] : memref<4x128xi32, #tpu.memory_space<vmem>> -> memref<1x128xi32, #tpu.memory_space<vmem>>
    %dma_wait3A_161 = tpu.memref_squeeze %dma_wait3A_160 : memref<1x128xi32, #tpu.memory_space<vmem>> -> memref<128xi32, #tpu.memory_space<vmem>>
    %dma_wait3A_162 = arith.constant 0 : i32
    %dma_wait3A_163 = arith.constant 0 : i32
    %dma_wait3A_164 = tpu.memref_slice %arg3[%dma_wait3A_162, %dma_wait3A_163] : memref<1000x64xf32, #tpu.memory_space<hbm>> -> memref<1000x64xf32, #tpu.memory_space<hbm>>
    tpu.wait_indirect_dma semaphore(%arg22 : memref<!tpu.dma_semaphore, #tpu.memory_space<semaphore_mem>>) src(%dma_wait3A_164 : memref<1000x64xf32, #tpu.memory_space<hbm>>) dst(%dma_wait3A_158 : memref<128x64xf32, #tpu.memory_space<vmem>>)
    %dma_wait3A_165 = arith.constant 0 : i32
    %dma_wait3A_166 = arith.constant 0 : i32
    %dma_wait3A_167 = tpu.memref_slice %arg18[%dma_wait3A_166] : memref<512xf32, #tpu.memory_space<vmem>> -> memref<128xf32, #tpu.memory_space<vmem>>
    %dma_wait3A_168 = arith.constant 0 : i32
    %dma_wait3A_169 = tpu.memref_slice %arg12[%dma_wait3A_165, %dma_wait3A_168] : memref<4x128xi32, #tpu.memory_space<vmem>> -> memref<1x128xi32, #tpu.memory_space<vmem>>
    %dma_wait3A_170 = tpu.memref_squeeze %dma_wait3A_169 : memref<1x128xi32, #tpu.memory_space<vmem>> -> memref<128xi32, #tpu.memory_space<vmem>>
    %dma_wait3A_171 = arith.constant 0 : i32
    %dma_wait3A_172 = tpu.memref_slice %arg4[%dma_wait3A_171] : memref<1000000xf32, #tpu.memory_space<hbm>> -> memref<1000000xf32, #tpu.memory_space<hbm>>
    tpu.wait_indirect_dma semaphore(%arg22 : memref<!tpu.dma_semaphore, #tpu.memory_space<semaphore_mem>>) src(%dma_wait3A_172 : memref<1000000xf32, #tpu.memory_space<hbm>>) dst(%dma_wait3A_167 : memref<128xf32, #tpu.memory_space<vmem>>)
    %dma_wait3A_173 = arith.constant 0 : i32
    %dma_wait3A_174 = arith.constant 0 : i32
    %dma_wait3A_175 = tpu.memref_slice %arg19[%dma_wait3A_174] : memref<512xf32, #tpu.memory_space<vmem>> -> memref<128xf32, #tpu.memory_space<vmem>>
    %dma_wait3A_176 = arith.constant 0 : i32
    %dma_wait3A_177 = tpu.memref_slice %arg13[%dma_wait3A_173, %dma_wait3A_176] : memref<4x128xi32, #tpu.memory_space<vmem>> -> memref<1x128xi32, #tpu.memory_space<vmem>>
    %dma_wait3A_178 = tpu.memref_squeeze %dma_wait3A_177 : memref<1x128xi32, #tpu.memory_space<vmem>> -> memref<128xi32, #tpu.memory_space<vmem>>
    %dma_wait3A_179 = arith.constant 0 : i32
    %dma_wait3A_180 = tpu.memref_slice %arg5[%dma_wait3A_179] : memref<100000xf32, #tpu.memory_space<hbm>> -> memref<100000xf32, #tpu.memory_space<hbm>>
    tpu.wait_indirect_dma semaphore(%arg22 : memref<!tpu.dma_semaphore, #tpu.memory_space<semaphore_mem>>) src(%dma_wait3A_180 : memref<100000xf32, #tpu.memory_space<hbm>>) dst(%dma_wait3A_175 : memref<128xf32, #tpu.memory_space<vmem>>)
    %dma_wait3A_181 = arith.constant 1 : i32
    %dma_wait3A_182 = arith.constant 128 : i32
    %dma_wait3A_183 = arith.constant 0 : i32
    %dma_wait3A_184 = tpu.memref_slice %arg15[%dma_wait3A_182, %dma_wait3A_183] : memref<512x64xf32, #tpu.memory_space<vmem>> -> memref<128x64xf32, #tpu.memory_space<vmem>>
    %dma_wait3A_185 = arith.constant 0 : i32
    %dma_wait3A_186 = tpu.memref_slice %arg13[%dma_wait3A_181, %dma_wait3A_185] : memref<4x128xi32, #tpu.memory_space<vmem>> -> memref<1x128xi32, #tpu.memory_space<vmem>>
    %dma_wait3A_187 = tpu.memref_squeeze %dma_wait3A_186 : memref<1x128xi32, #tpu.memory_space<vmem>> -> memref<128xi32, #tpu.memory_space<vmem>>
    %dma_wait3A_188 = arith.constant 0 : i32
    %dma_wait3A_189 = arith.constant 0 : i32
    %dma_wait3A_190 = tpu.memref_slice %arg2[%dma_wait3A_188, %dma_wait3A_189] : memref<100000x64xf32, #tpu.memory_space<hbm>> -> memref<100000x64xf32, #tpu.memory_space<hbm>>
    tpu.wait_indirect_dma semaphore(%arg22 : memref<!tpu.dma_semaphore, #tpu.memory_space<semaphore_mem>>) src(%dma_wait3A_190 : memref<100000x64xf32, #tpu.memory_space<hbm>>) dst(%dma_wait3A_184 : memref<128x64xf32, #tpu.memory_space<vmem>>)
    %dma_wait3A_191 = arith.constant 1 : i32
    %dma_wait3A_192 = arith.constant 128 : i32
    %dma_wait3A_193 = arith.constant 0 : i32
    %dma_wait3A_194 = tpu.memref_slice %arg16[%dma_wait3A_192, %dma_wait3A_193] : memref<512x64xf32, #tpu.memory_space<vmem>> -> memref<128x64xf32, #tpu.memory_space<vmem>>
    %dma_wait3A_195 = arith.constant 0 : i32
    %dma_wait3A_196 = tpu.memref_slice %arg14[%dma_wait3A_191, %dma_wait3A_195] : memref<4x128xi32, #tpu.memory_space<vmem>> -> memref<1x128xi32, #tpu.memory_space<vmem>>
    %dma_wait3A_197 = tpu.memref_squeeze %dma_wait3A_196 : memref<1x128xi32, #tpu.memory_space<vmem>> -> memref<128xi32, #tpu.memory_space<vmem>>
    %dma_wait3A_198 = arith.constant 0 : i32
    %dma_wait3A_199 = arith.constant 0 : i32
    %dma_wait3A_200 = tpu.memref_slice %arg3[%dma_wait3A_198, %dma_wait3A_199] : memref<1000x64xf32, #tpu.memory_space<hbm>> -> memref<1000x64xf32, #tpu.memory_space<hbm>>
    tpu.wait_indirect_dma semaphore(%arg22 : memref<!tpu.dma_semaphore, #tpu.memory_space<semaphore_mem>>) src(%dma_wait3A_200 : memref<1000x64xf32, #tpu.memory_space<hbm>>) dst(%dma_wait3A_194 : memref<128x64xf32, #tpu.memory_space<vmem>>)
    %dma_wait3A_201 = arith.constant 1 : i32
    %dma_wait3A_202 = arith.constant 128 : i32
    %dma_wait3A_203 = tpu.memref_slice %arg18[%dma_wait3A_202] : memref<512xf32, #tpu.memory_space<vmem>> -> memref<128xf32, #tpu.memory_space<vmem>>
    %dma_wait3A_204 = arith.constant 0 : i32
    %dma_wait3A_205 = tpu.memref_slice %arg12[%dma_wait3A_201, %dma_wait3A_204] : memref<4x128xi32, #tpu.memory_space<vmem>> -> memref<1x128xi32, #tpu.memory_space<vmem>>
    %dma_wait3A_206 = tpu.memref_squeeze %dma_wait3A_205 : memref<1x128xi32, #tpu.memory_space<vmem>> -> memref<128xi32, #tpu.memory_space<vmem>>
    %dma_wait3A_207 = arith.constant 0 : i32
    %dma_wait3A_208 = tpu.memref_slice %arg4[%dma_wait3A_207] : memref<1000000xf32, #tpu.memory_space<hbm>> -> memref<1000000xf32, #tpu.memory_space<hbm>>
    tpu.wait_indirect_dma semaphore(%arg22 : memref<!tpu.dma_semaphore, #tpu.memory_space<semaphore_mem>>) src(%dma_wait3A_208 : memref<1000000xf32, #tpu.memory_space<hbm>>) dst(%dma_wait3A_203 : memref<128xf32, #tpu.memory_space<vmem>>)
    %dma_wait3A_209 = arith.constant 1 : i32
    %dma_wait3A_210 = arith.constant 128 : i32
    %dma_wait3A_211 = tpu.memref_slice %arg19[%dma_wait3A_210] : memref<512xf32, #tpu.memory_space<vmem>> -> memref<128xf32, #tpu.memory_space<vmem>>
    %dma_wait3A_212 = arith.constant 0 : i32
    %dma_wait3A_213 = tpu.memref_slice %arg13[%dma_wait3A_209, %dma_wait3A_212] : memref<4x128xi32, #tpu.memory_space<vmem>> -> memref<1x128xi32, #tpu.memory_space<vmem>>
    %dma_wait3A_214 = tpu.memref_squeeze %dma_wait3A_213 : memref<1x128xi32, #tpu.memory_space<vmem>> -> memref<128xi32, #tpu.memory_space<vmem>>
    %dma_wait3A_215 = arith.constant 0 : i32
    %dma_wait3A_216 = tpu.memref_slice %arg5[%dma_wait3A_215] : memref<100000xf32, #tpu.memory_space<hbm>> -> memref<100000xf32, #tpu.memory_space<hbm>>
    tpu.wait_indirect_dma semaphore(%arg22 : memref<!tpu.dma_semaphore, #tpu.memory_space<semaphore_mem>>) src(%dma_wait3A_216 : memref<100000xf32, #tpu.memory_space<hbm>>) dst(%dma_wait3A_211 : memref<128xf32, #tpu.memory_space<vmem>>)
    %dma_wait3A_217 = arith.constant 2 : i32
    %dma_wait3A_218 = arith.constant 256 : i32
    %dma_wait3A_219 = arith.constant 0 : i32
    %dma_wait3A_220 = tpu.memref_slice %arg15[%dma_wait3A_218, %dma_wait3A_219] : memref<512x64xf32, #tpu.memory_space<vmem>> -> memref<128x64xf32, #tpu.memory_space<vmem>>
    %dma_wait3A_221 = arith.constant 0 : i32
    %dma_wait3A_222 = tpu.memref_slice %arg13[%dma_wait3A_217, %dma_wait3A_221] : memref<4x128xi32, #tpu.memory_space<vmem>> -> memref<1x128xi32, #tpu.memory_space<vmem>>
    %dma_wait3A_223 = tpu.memref_squeeze %dma_wait3A_222 : memref<1x128xi32, #tpu.memory_space<vmem>> -> memref<128xi32, #tpu.memory_space<vmem>>
    %dma_wait3A_224 = arith.constant 0 : i32
    %dma_wait3A_225 = arith.constant 0 : i32
    %dma_wait3A_226 = tpu.memref_slice %arg2[%dma_wait3A_224, %dma_wait3A_225] : memref<100000x64xf32, #tpu.memory_space<hbm>> -> memref<100000x64xf32, #tpu.memory_space<hbm>>
    tpu.wait_indirect_dma semaphore(%arg22 : memref<!tpu.dma_semaphore, #tpu.memory_space<semaphore_mem>>) src(%dma_wait3A_226 : memref<100000x64xf32, #tpu.memory_space<hbm>>) dst(%dma_wait3A_220 : memref<128x64xf32, #tpu.memory_space<vmem>>)
    %dma_wait3A_227 = arith.constant 2 : i32
    %dma_wait3A_228 = arith.constant 256 : i32
    %dma_wait3A_229 = arith.constant 0 : i32
    %dma_wait3A_230 = tpu.memref_slice %arg16[%dma_wait3A_228, %dma_wait3A_229] : memref<512x64xf32, #tpu.memory_space<vmem>> -> memref<128x64xf32, #tpu.memory_space<vmem>>
    %dma_wait3A_231 = arith.constant 0 : i32
    %dma_wait3A_232 = tpu.memref_slice %arg14[%dma_wait3A_227, %dma_wait3A_231] : memref<4x128xi32, #tpu.memory_space<vmem>> -> memref<1x128xi32, #tpu.memory_space<vmem>>
    %dma_wait3A_233 = tpu.memref_squeeze %dma_wait3A_232 : memref<1x128xi32, #tpu.memory_space<vmem>> -> memref<128xi32, #tpu.memory_space<vmem>>
    %dma_wait3A_234 = arith.constant 0 : i32
    %dma_wait3A_235 = arith.constant 0 : i32
    %dma_wait3A_236 = tpu.memref_slice %arg3[%dma_wait3A_234, %dma_wait3A_235] : memref<1000x64xf32, #tpu.memory_space<hbm>> -> memref<1000x64xf32, #tpu.memory_space<hbm>>
    tpu.wait_indirect_dma semaphore(%arg22 : memref<!tpu.dma_semaphore, #tpu.memory_space<semaphore_mem>>) src(%dma_wait3A_236 : memref<1000x64xf32, #tpu.memory_space<hbm>>) dst(%dma_wait3A_230 : memref<128x64xf32, #tpu.memory_space<vmem>>)
    %dma_wait3A_237 = arith.constant 2 : i32
    %dma_wait3A_238 = arith.constant 256 : i32
    %dma_wait3A_239 = tpu.memref_slice %arg18[%dma_wait3A_238] : memref<512xf32, #tpu.memory_space<vmem>> -> memref<128xf32, #tpu.memory_space<vmem>>
    %dma_wait3A_240 = arith.constant 0 : i32
    %dma_wait3A_241 = tpu.memref_slice %arg12[%dma_wait3A_237, %dma_wait3A_240] : memref<4x128xi32, #tpu.memory_space<vmem>> -> memref<1x128xi32, #tpu.memory_space<vmem>>
    %dma_wait3A_242 = tpu.memref_squeeze %dma_wait3A_241 : memref<1x128xi32, #tpu.memory_space<vmem>> -> memref<128xi32, #tpu.memory_space<vmem>>
    %dma_wait3A_243 = arith.constant 0 : i32
    %dma_wait3A_244 = tpu.memref_slice %arg4[%dma_wait3A_243] : memref<1000000xf32, #tpu.memory_space<hbm>> -> memref<1000000xf32, #tpu.memory_space<hbm>>
    tpu.wait_indirect_dma semaphore(%arg22 : memref<!tpu.dma_semaphore, #tpu.memory_space<semaphore_mem>>) src(%dma_wait3A_244 : memref<1000000xf32, #tpu.memory_space<hbm>>) dst(%dma_wait3A_239 : memref<128xf32, #tpu.memory_space<vmem>>)
    %dma_wait3A_245 = arith.constant 2 : i32
    %dma_wait3A_246 = arith.constant 256 : i32
    %dma_wait3A_247 = tpu.memref_slice %arg19[%dma_wait3A_246] : memref<512xf32, #tpu.memory_space<vmem>> -> memref<128xf32, #tpu.memory_space<vmem>>
    %dma_wait3A_248 = arith.constant 0 : i32
    %dma_wait3A_249 = tpu.memref_slice %arg13[%dma_wait3A_245, %dma_wait3A_248] : memref<4x128xi32, #tpu.memory_space<vmem>> -> memref<1x128xi32, #tpu.memory_space<vmem>>
    %dma_wait3A_250 = tpu.memref_squeeze %dma_wait3A_249 : memref<1x128xi32, #tpu.memory_space<vmem>> -> memref<128xi32, #tpu.memory_space<vmem>>
    %dma_wait3A_251 = arith.constant 0 : i32
    %dma_wait3A_252 = tpu.memref_slice %arg5[%dma_wait3A_251] : memref<100000xf32, #tpu.memory_space<hbm>> -> memref<100000xf32, #tpu.memory_space<hbm>>
    tpu.wait_indirect_dma semaphore(%arg22 : memref<!tpu.dma_semaphore, #tpu.memory_space<semaphore_mem>>) src(%dma_wait3A_252 : memref<100000xf32, #tpu.memory_space<hbm>>) dst(%dma_wait3A_247 : memref<128xf32, #tpu.memory_space<vmem>>)
    %dma_wait3A_253 = arith.constant 3 : i32
    %dma_wait3A_254 = arith.constant 384 : i32
    %dma_wait3A_255 = arith.constant 0 : i32
    %dma_wait3A_256 = tpu.memref_slice %arg15[%dma_wait3A_254, %dma_wait3A_255] : memref<512x64xf32, #tpu.memory_space<vmem>> -> memref<128x64xf32, #tpu.memory_space<vmem>>
    %dma_wait3A_257 = arith.constant 0 : i32
    %dma_wait3A_258 = tpu.memref_slice %arg13[%dma_wait3A_253, %dma_wait3A_257] : memref<4x128xi32, #tpu.memory_space<vmem>> -> memref<1x128xi32, #tpu.memory_space<vmem>>
    %dma_wait3A_259 = tpu.memref_squeeze %dma_wait3A_258 : memref<1x128xi32, #tpu.memory_space<vmem>> -> memref<128xi32, #tpu.memory_space<vmem>>
    %dma_wait3A_260 = arith.constant 0 : i32
    %dma_wait3A_261 = arith.constant 0 : i32
    %dma_wait3A_262 = tpu.memref_slice %arg2[%dma_wait3A_260, %dma_wait3A_261] : memref<100000x64xf32, #tpu.memory_space<hbm>> -> memref<100000x64xf32, #tpu.memory_space<hbm>>
    tpu.wait_indirect_dma semaphore(%arg22 : memref<!tpu.dma_semaphore, #tpu.memory_space<semaphore_mem>>) src(%dma_wait3A_262 : memref<100000x64xf32, #tpu.memory_space<hbm>>) dst(%dma_wait3A_256 : memref<128x64xf32, #tpu.memory_space<vmem>>)
    %dma_wait3A_263 = arith.constant 3 : i32
    %dma_wait3A_264 = arith.constant 384 : i32
    %dma_wait3A_265 = arith.constant 0 : i32
    %dma_wait3A_266 = tpu.memref_slice %arg16[%dma_wait3A_264, %dma_wait3A_265] : memref<512x64xf32, #tpu.memory_space<vmem>> -> memref<128x64xf32, #tpu.memory_space<vmem>>
    %dma_wait3A_267 = arith.constant 0 : i32
    %dma_wait3A_268 = tpu.memref_slice %arg14[%dma_wait3A_263, %dma_wait3A_267] : memref<4x128xi32, #tpu.memory_space<vmem>> -> memref<1x128xi32, #tpu.memory_space<vmem>>
    %dma_wait3A_269 = tpu.memref_squeeze %dma_wait3A_268 : memref<1x128xi32, #tpu.memory_space<vmem>> -> memref<128xi32, #tpu.memory_space<vmem>>
    %dma_wait3A_270 = arith.constant 0 : i32
    %dma_wait3A_271 = arith.constant 0 : i32
    %dma_wait3A_272 = tpu.memref_slice %arg3[%dma_wait3A_270, %dma_wait3A_271] : memref<1000x64xf32, #tpu.memory_space<hbm>> -> memref<1000x64xf32, #tpu.memory_space<hbm>>
    tpu.wait_indirect_dma semaphore(%arg22 : memref<!tpu.dma_semaphore, #tpu.memory_space<semaphore_mem>>) src(%dma_wait3A_272 : memref<1000x64xf32, #tpu.memory_space<hbm>>) dst(%dma_wait3A_266 : memref<128x64xf32, #tpu.memory_space<vmem>>)
    %dma_wait3A_273 = arith.constant 3 : i32
    %dma_wait3A_274 = arith.constant 384 : i32
    %dma_wait3A_275 = tpu.memref_slice %arg18[%dma_wait3A_274] : memref<512xf32, #tpu.memory_space<vmem>> -> memref<128xf32, #tpu.memory_space<vmem>>
    %dma_wait3A_276 = arith.constant 0 : i32
    %dma_wait3A_277 = tpu.memref_slice %arg12[%dma_wait3A_273, %dma_wait3A_276] : memref<4x128xi32, #tpu.memory_space<vmem>> -> memref<1x128xi32, #tpu.memory_space<vmem>>
    %dma_wait3A_278 = tpu.memref_squeeze %dma_wait3A_277 : memref<1x128xi32, #tpu.memory_space<vmem>> -> memref<128xi32, #tpu.memory_space<vmem>>
    %dma_wait3A_279 = arith.constant 0 : i32
    %dma_wait3A_280 = tpu.memref_slice %arg4[%dma_wait3A_279] : memref<1000000xf32, #tpu.memory_space<hbm>> -> memref<1000000xf32, #tpu.memory_space<hbm>>
    tpu.wait_indirect_dma semaphore(%arg22 : memref<!tpu.dma_semaphore, #tpu.memory_space<semaphore_mem>>) src(%dma_wait3A_280 : memref<1000000xf32, #tpu.memory_space<hbm>>) dst(%dma_wait3A_275 : memref<128xf32, #tpu.memory_space<vmem>>)
    %dma_wait3A_281 = arith.constant 3 : i32
    %dma_wait3A_282 = arith.constant 384 : i32
    %dma_wait3A_283 = tpu.memref_slice %arg19[%dma_wait3A_282] : memref<512xf32, #tpu.memory_space<vmem>> -> memref<128xf32, #tpu.memory_space<vmem>>
    %dma_wait3A_284 = arith.constant 0 : i32
    %dma_wait3A_285 = tpu.memref_slice %arg13[%dma_wait3A_281, %dma_wait3A_284] : memref<4x128xi32, #tpu.memory_space<vmem>> -> memref<1x128xi32, #tpu.memory_space<vmem>>
    %dma_wait3A_286 = tpu.memref_squeeze %dma_wait3A_285 : memref<1x128xi32, #tpu.memory_space<vmem>> -> memref<128xi32, #tpu.memory_space<vmem>>
    %dma_wait3A_287 = arith.constant 0 : i32
    %dma_wait3A_288 = tpu.memref_slice %arg5[%dma_wait3A_287] : memref<100000xf32, #tpu.memory_space<hbm>> -> memref<100000xf32, #tpu.memory_space<hbm>>
    tpu.wait_indirect_dma semaphore(%arg22 : memref<!tpu.dma_semaphore, #tpu.memory_space<semaphore_mem>>) src(%dma_wait3A_288 : memref<100000xf32, #tpu.memory_space<hbm>>) dst(%dma_wait3A_283 : memref<128xf32, #tpu.memory_space<vmem>>)
    %scan3A = arith.constant 0 : i32
    %scan3A_289 = arith.constant 512 : i32
    %scan3A_290 = arith.addi %scan3A, %scan3A_289 : i32
    %scan3A_291 = arith.constant 1 : i32
    scf.for %scan3A_301 = %scan3A to %scan3A_290 step %scan3A_291  : i32 {
      %mul3A_302 = arith.constant 1 : i32
      %mul3A_303 = arith.muli %scan3A_301, %mul3A_302 : i32
      %add3A_304 = arith.constant 0 : i32
      %add3A_305 = arith.addi %add3A_304, %mul3A_303 : i32
      %get3A_306 = arith.index_cast %add3A_305 : i32 to index
      %get3A_307 = arith.constant 0 : index
      %get3A_308 = tpu.vector_load %arg15[%get3A_306, %get3A_307] {strides = array<i32>} : memref<512x64xf32, #tpu.memory_space<vmem>>, vector<16xf32>,
      %get3A_309 = arith.index_cast %add3A_305 : i32 to index
      %get3A_310 = arith.constant 0 : index
      %get3A_311 = tpu.vector_load %arg16[%get3A_309, %get3A_310] {strides = array<i32>} : memref<512x64xf32, #tpu.memory_space<vmem>>, vector<16xf32>,
      %mul3A_312 = arith.constant 3.000000e-01 : f32
      %mul3A_313 = vector.broadcast %mul3A_312 : f32 to vector<16xf32>
      %mul3A_314 = arith.mulf %mul3A_313, %get3A_311 : vector<16xf32>
      %add3A_315 = arith.addf %get3A_308, %mul3A_314 : vector<16xf32>
      %mul3A_316 = arith.constant 64 : i32
      %mul3A_317 = arith.muli %add3A_305, %mul3A_316 : i32
      %add3A_318 = arith.constant 0 : i32
      %add3A_319 = arith.addi %mul3A_317, %add3A_318 : i32
      %swap3A = arith.index_cast %add3A_319 : i32 to index
      %swap3A_320 = tpu.vector_load %arg17[%swap3A] {strides = array<i32>} : memref<32768xf32, #tpu.memory_space<vmem>>, vector<16xf32>,
      tpu.vector_store %arg17[%swap3A], %add3A_315 {strides = array<i32>} : memref<32768xf32, #tpu.memory_space<vmem>>, vector<16xf32>,
      %get3A_321 = arith.index_cast %add3A_305 : i32 to index
      %get3A_322 = arith.constant 16 : index
      %get3A_323 = tpu.vector_load %arg15[%get3A_321, %get3A_322] {strides = array<i32>} : memref<512x64xf32, #tpu.memory_space<vmem>>, vector<16xf32>,
      %get3A_324 = arith.index_cast %add3A_305 : i32 to index
      %get3A_325 = arith.constant 16 : index
      %get3A_326 = tpu.vector_load %arg16[%get3A_324, %get3A_325] {strides = array<i32>} : memref<512x64xf32, #tpu.memory_space<vmem>>, vector<16xf32>,
      %mul3A_327 = arith.constant 3.000000e-01 : f32
      %mul3A_328 = vector.broadcast %mul3A_327 : f32 to vector<16xf32>
      %mul3A_329 = arith.mulf %mul3A_328, %get3A_326 : vector<16xf32>
      %add3A_330 = arith.addf %get3A_323, %mul3A_329 : vector<16xf32>
      %mul3A_331 = arith.constant 64 : i32
      %mul3A_332 = arith.muli %add3A_305, %mul3A_331 : i32
      %add3A_333 = arith.constant 16 : i32
      %add3A_334 = arith.addi %mul3A_332, %add3A_333 : i32
      %swap3A_335 = arith.index_cast %add3A_334 : i32 to index
      %swap3A_336 = tpu.vector_load %arg17[%swap3A_335] {strides = array<i32>} : memref<32768xf32, #tpu.memory_space<vmem>>, vector<16xf32>,
      tpu.vector_store %arg17[%swap3A_335], %add3A_330 {strides = array<i32>} : memref<32768xf32, #tpu.memory_space<vmem>>, vector<16xf32>,
      %get3A_337 = arith.index_cast %add3A_305 : i32 to index
      %get3A_338 = arith.constant 32 : index
      %get3A_339 = tpu.vector_load %arg15[%get3A_337, %get3A_338] {strides = array<i32>} : memref<512x64xf32, #tpu.memory_space<vmem>>, vector<16xf32>,
      %get3A_340 = arith.index_cast %add3A_305 : i32 to index
      %get3A_341 = arith.constant 32 : index
      %get3A_342 = tpu.vector_load %arg16[%get3A_340, %get3A_341] {strides = array<i32>} : memref<512x64xf32, #tpu.memory_space<vmem>>, vector<16xf32>,
      %mul3A_343 = arith.constant 3.000000e-01 : f32
      %mul3A_344 = vector.broadcast %mul3A_343 : f32 to vector<16xf32>
      %mul3A_345 = arith.mulf %mul3A_344, %get3A_342 : vector<16xf32>
      %add3A_346 = arith.addf %get3A_339, %mul3A_345 : vector<16xf32>
      %mul3A_347 = arith.constant 64 : i32
      %mul3A_348 = arith.muli %add3A_305, %mul3A_347 : i32
      %add3A_349 = arith.constant 32 : i32
      %add3A_350 = arith.addi %mul3A_348, %add3A_349 : i32
      %swap3A_351 = arith.index_cast %add3A_350 : i32 to index
      %swap3A_352 = tpu.vector_load %arg17[%swap3A_351] {strides = array<i32>} : memref<32768xf32, #tpu.memory_space<vmem>>, vector<16xf32>,
      tpu.vector_store %arg17[%swap3A_351], %add3A_346 {strides = array<i32>} : memref<32768xf32, #tpu.memory_space<vmem>>, vector<16xf32>,
      %get3A_353 = arith.index_cast %add3A_305 : i32 to index
      %get3A_354 = arith.constant 48 : index
      %get3A_355 = tpu.vector_load %arg15[%get3A_353, %get3A_354] {strides = array<i32>} : memref<512x64xf32, #tpu.memory_space<vmem>>, vector<16xf32>,
      %get3A_356 = arith.index_cast %add3A_305 : i32 to index
      %get3A_357 = arith.constant 48 : index
      %get3A_358 = tpu.vector_load %arg16[%get3A_356, %get3A_357] {strides = array<i32>} : memref<512x64xf32, #tpu.memory_space<vmem>>, vector<16xf32>,
      %mul3A_359 = arith.constant 3.000000e-01 : f32
      %mul3A_360 = vector.broadcast %mul3A_359 : f32 to vector<16xf32>
      %mul3A_361 = arith.mulf %mul3A_360, %get3A_358 : vector<16xf32>
      %add3A_362 = arith.addf %get3A_355, %mul3A_361 : vector<16xf32>
      %mul3A_363 = arith.constant 64 : i32
      %mul3A_364 = arith.muli %add3A_305, %mul3A_363 : i32
      %add3A_365 = arith.constant 48 : i32
      %add3A_366 = arith.addi %mul3A_364, %add3A_365 : i32
      %swap3A_367 = arith.index_cast %add3A_366 : i32 to index
      %swap3A_368 = tpu.vector_load %arg17[%swap3A_367] {strides = array<i32>} : memref<32768xf32, #tpu.memory_space<vmem>>, vector<16xf32>,
      tpu.vector_store %arg17[%swap3A_367], %add3A_362 {strides = array<i32>} : memref<32768xf32, #tpu.memory_space<vmem>>, vector<16xf32>,
    }
    %scan3A_292 = arith.constant 512 : i32
    %get3A = arith.constant 0 : index
    %get3A_293 = tpu.vector_load %arg20[%get3A] {strides = array<i32>} : memref<16xf32, #tpu.memory_space<vmem>>, vector<16xf32>,
    %slice3A = vector.extract_strided_slice %get3A_293 {offsets = [0], sizes = [1], strides = [1]} : vector<16xf32> to vector<1xf32>
    %squeeze3A = vector.extract %slice3A[0] : f32 from vector<1xf32>
    %scan3A_294 = arith.constant 0 : i32
    %scan3A_295 = arith.constant 32 : i32
    %scan3A_296 = arith.addi %scan3A_294, %scan3A_295 : i32
    %scan3A_297 = arith.constant 1 : i32
    scf.for %scan3A_301 = %scan3A_294 to %scan3A_296 step %scan3A_297  : i32 {
      %mul3A_302 = arith.constant 1 : i32
      %mul3A_303 = arith.muli %scan3A_301, %mul3A_302 : i32
      %add3A_304 = arith.constant 0 : i32
      %add3A_305 = arith.addi %add3A_304, %mul3A_303 : i32
      %mul3A_306 = arith.constant 16 : i32
      %mul3A_307 = arith.muli %add3A_305, %mul3A_306 : i32
      %get3A_308 = arith.index_cast %mul3A_307 : i32 to index
      %get3A_309 = tpu.vector_load %arg18[%get3A_308] {strides = array<i32>} : memref<512xf32, #tpu.memory_space<vmem>>, vector<16xf32>,
      %get3A_310 = arith.index_cast %mul3A_307 : i32 to index
      %get3A_311 = tpu.vector_load %arg19[%get3A_310] {strides = array<i32>} : memref<512xf32, #tpu.memory_space<vmem>>, vector<16xf32>,
      %add3A_312 = arith.addf %get3A_309, %get3A_311 : vector<16xf32>
      %add3A_313 = vector.broadcast %squeeze3A : f32 to vector<16xf32>
      %add3A_314 = arith.addf %add3A_312, %add3A_313 : vector<16xf32>
      %swap3A = arith.index_cast %mul3A_307 : i32 to index
      %swap3A_315 = tpu.vector_load %arg21[%swap3A] {strides = array<i32>} : memref<512xf32, #tpu.memory_space<vmem>>, vector<16xf32>,
      tpu.vector_store %arg21[%swap3A], %add3A_314 {strides = array<i32>} : memref<512xf32, #tpu.memory_space<vmem>>, vector<16xf32>,
    }
    %scan3A_298 = arith.constant 32 : i32
    %mul3A_299 = arith.constant 64 : i32
    %mul3A_300 = arith.muli %mul3A_2, %mul3A_299 : i32
    "tpu.region"() ({
      %run_scoped3A = tpu.sem_alloc : memref<!tpu.dma_semaphore, #tpu.memory_space<semaphore_mem>>
      %dma_start3A_301 = tpu.memref_slice %arg10[%mul3A_300] : memref<1048576xf32, #tpu.memory_space<hbm>> -> memref<32768xf32, #tpu.memory_space<hbm>>
      %dma_start3A_302 = tpu.memref_slice %arg10[%mul3A_300] : memref<1048576xf32, #tpu.memory_space<hbm>> -> memref<32768xf32, #tpu.memory_space<hbm>>
      tpu.enqueue_dma source(%arg17 : memref<32768xf32, #tpu.memory_space<vmem>>) target(%dma_start3A_302 : memref<32768xf32, #tpu.memory_space<hbm>>) target_semaphore(%run_scoped3A : memref<!tpu.dma_semaphore, #tpu.memory_space<semaphore_mem>>)
      %dma_wait3A_303 = tpu.memref_slice %arg10[%mul3A_300] : memref<1048576xf32, #tpu.memory_space<hbm>> -> memref<32768xf32, #tpu.memory_space<hbm>>
      %dma_wait3A_304 = tpu.memref_slice %arg10[%mul3A_300] : memref<1048576xf32, #tpu.memory_space<hbm>> -> memref<32768xf32, #tpu.memory_space<hbm>>
      tpu.wait_dma2 semaphore(%run_scoped3A : memref<!tpu.dma_semaphore, #tpu.memory_space<semaphore_mem>>) src(%arg17 : memref<32768xf32, #tpu.memory_space<vmem>>) dst(%dma_wait3A_304 : memref<32768xf32, #tpu.memory_space<hbm>>)
      tpu.yield
    }) : () -> ()
    "tpu.region"() ({
      %run_scoped3A = tpu.sem_alloc : memref<!tpu.dma_semaphore, #tpu.memory_space<semaphore_mem>>
      %dma_start3A_301 = tpu.memref_slice %arg11[%mul3A_2] : memref<16384xf32, #tpu.memory_space<hbm>> -> memref<512xf32, #tpu.memory_space<hbm>>
      %dma_start3A_302 = tpu.memref_slice %arg11[%mul3A_2] : memref<16384xf32, #tpu.memory_space<hbm>> -> memref<512xf32, #tpu.memory_space<hbm>>
      tpu.enqueue_dma source(%arg21 : memref<512xf32, #tpu.memory_space<vmem>>) target(%dma_start3A_302 : memref<512xf32, #tpu.memory_space<hbm>>) target_semaphore(%run_scoped3A : memref<!tpu.dma_semaphore, #tpu.memory_space<semaphore_mem>>)
      %dma_wait3A_303 = tpu.memref_slice %arg11[%mul3A_2] : memref<16384xf32, #tpu.memory_space<hbm>> -> memref<512xf32, #tpu.memory_space<hbm>>
      %dma_wait3A_304 = tpu.memref_slice %arg11[%mul3A_2] : memref<16384xf32, #tpu.memory_space<hbm>> -> memref<512xf32, #tpu.memory_space<hbm>>
      tpu.wait_dma2 semaphore(%run_scoped3A : memref<!tpu.dma_semaphore, #tpu.memory_space<semaphore_mem>>) src(%arg21 : memref<512xf32, #tpu.memory_space<vmem>>) dst(%dma_wait3A_304 : memref<512xf32, #tpu.memory_space<hbm>>)
      tpu.yield
    }) : () -> ()
    return
  }
}

module attributes {stable_mosaic.version = 14 : i64} {
  func.func @_pad_body(%arg0: i32, %arg1: memref<2000x64xf32, #tpu.memory_space<vmem>>, %arg2: memref<2000x128xf32, #tpu.memory_space<vmem>>) attributes {dimension_semantics = [#tpu.dimension_semantics<arbitrary>], iteration_bounds = array<i64: 500>, scalar_prefetch = 0 : i64, scratch_operands = 0 : i64, tpu.core_type = #tpu.core_type<tc>, window_params = [{transform_indices = @transform_0, window_bounds = array<i64: 2000, 64>}, {transform_indices = @transform_1, window_bounds = array<i64: 2000, 128>}]} {
    %get3A = arith.constant 0 : index
    %get3A_0 = arith.constant 0 : index
    %get3A_1 = vector.load %arg1[%get3A, %get3A_0] : memref<2000x64xf32, #tpu.memory_space<vmem>>, vector<2000x64xf32>
    %swap3A = arith.constant 0 : index
    %swap3A_2 = arith.constant 0 : index
    %swap3A_3 = vector.load %arg2[%swap3A, %swap3A_2] : memref<2000x128xf32, #tpu.memory_space<vmem>>, vector<2000x64xf32>
    tpu.vector_store %arg2[%swap3A, %swap3A_2], %get3A_1 {strides = array<i32>} : memref<2000x128xf32, #tpu.memory_space<vmem>>, vector<2000x64xf32>,
    return
  }
  func.func @transform_0(%arg0: i32) -> (i32, i32) {
    %c0_i32 = arith.constant 0 : i32
    %c0_i32_0 = arith.constant 0 : i32
    return %arg0, %c0_i32 : i32, i32
  }
  func.func @transform_1(%arg0: i32) -> (i32, i32) {
    %c0_i32 = arith.constant 0 : i32
    %c0_i32_0 = arith.constant 0 : i32
    return %arg0, %c0_i32 : i32, i32
  }
}

</mosaic_0001>

<sc_bundles>
// kernel: kernel.5.cloned.1.call-start
scs
__scs_entry_jumppad:
0x0: {  	(pc) =	sbr.rel $0x88, $3  }
0x1: {  	(tag) =	ssettag $0x0;
	lr =	simm.s32 $0x1  }
0x2: {  	[smem:$0x3F98] =	sst lr;
	_ =	strace $0xD0000000  }
0x3: {  	_ = 	snop  }
0x4: {  	_ = 	snop  }
0x5: {  	_ = 	snop  }
0x6: {  	_ = 	snop  }
0x7: {  	_ = 	snop  }
__scs_overlays_trampoline_lowered:
0x8: {  	[smem:$0x3FA7] =	sst s0  }
0x9: {  	[smem:$0x3FA8] =	sst s1  }
0xa: {  	[smem:$0x3FA9] =	sst s2  }
0xb: {  	[smem:$0x3FAA] =	sst s3  }
0xc: {  	[smem:$0x3FAB] =	sst s4  }
0xd: {  	[smem:$0x3FAC] =	sst s5  }
0xe: {  	[smem:$0x3FAD] =	sst s6  }
0xf: {  	[smem:$0x3FAE] =	sst s7  }
0x10: {  	[smem:$0x3FAF] =	sst s8  }
0x11: {  	[smem:$0x3FB0] =	sst s9;
	s0 =	simm.s32 @!p0 $0x0  }
0x12: {  	s1 =	sld [smem:$0x3F96];
	s0 =	simm.s32 @p0 $0x1  }
0x13: {  	[smem:$0x3FB1] =	sst s0;
	s0 =	simm.s32 @!p1 $0x0  }
0x14: {  	s2 =	sld [smem:$0x3F95];
	s0 =	simm.s32 @p1 $0x1  }
0x15: {  	[smem:$0x3FB2] =	sst s0;
	s0 =	simm.s32 @!p2 $0x0  }
0x16: {  	s3 =	sld [smem:$0x3FDB];
	s0 =	simm.s32 @p2 $0x1  }
0x17: {  	s4 =	simm.s32 $0x1BF5;
	[smem:$0x3FB4] =	sst s0  }
0x18: {  	s0 =	sld [smem:$0x3F97];
	_ =	swait.ge [sflag:s4], $0x0  }
0x19: {  	s7 =	sld [smem:$0x3F98]  }
0x1a: {  	s8 =	sadd.s32 $0xFFFFE003, lr  }
0x1b: {  	s9 =	sadd.s32 $0xFFFFFEF7, lr;
	s5 =	simm.s32 $0xFFFFFFFF;
	p2 =	slt.u32 s8, $0xFFFFF086  }
0x1c: {  	p1 =	slt.u32 s9, $0xF7A;
	s5 =	simm.s32 @!p2 $0x0  }
0x1d: {  	s5 =	simm.s32 @p1 $0x1;
	p0 =	seq.s32 s7, s2  }
0x1e: {  	s7 =	smul.u32 @!p0 $0xF7A, s2;
	p2 =	seq.s32 @!p0 s5, $0x0  }
0x1f: {  	s9 =	smul.u32 $0xF7A, s1;
	s8 =	simm.s32 @!p0 $0x1BF5;
	p2 =	por !p2, p0  }
0x20: {  	[sflag:s8] =	ssyncset.s32 @!p0 $0xFFFFF086;
	s6 =	sadd.s32 @!p0 s3, s7;
	s7 =	simm.s32 @!p0 $0x108  }
0x21: {  	s3 =	sadd.s32 s3, s9;
	s6 =	sadd.s32 @!p0 $0x88, s6;
	s7 =	simm.s32 @p2 $0x1082  }
0x22: {  	[simem:s7], [sflag:s8] =	dma.local @!p0 [hbm:s6], $0xF7A  }
0x23: {  	s9 =	sor.u32 $0xD0000000, s2;
	s6 =	simm.s32 $0x108;
	_ =	swait.ge @!p0 [sflag:s8], $0x0  }
0x24: {  	s3 =	sadd.s32 $0x88, s3;
	s6 =	simm.s32 @!p1 $0x1082;
	[sflag:s4] =	ssyncset.s32 $0xFFFFF086  }
0x25: {  	[simem:s6], [sflag:s4] =	dma.local [hbm:s3], $0xF7A  }
0x26: {  	[smem:$0x3F98] =	sst s1;
	(tag) =	ssettag s2;
	_ =	strace s9  }
0x27: {  	s1 =	sld [smem:$0x3FA8]  }
0x28: {  	s2 =	sld [smem:$0x3FA9]  }
0x29: {  	s4 =	sld [smem:$0x3FAB]  }
0x2a: {  	p0 =	seq.s32 s5, $0x0;
	s5 =	sld [smem:$0x3FAC]  }
0x2b: {  	s6 =	sld [smem:$0x3FAD]  }
0x2c: {  	s7 =	sld [smem:$0x3FAE]  }
0x2d: {  	s3 =	simm.s32 $0x108;
	s8 =	sld [smem:$0x3FAF]  }
0x2e: {  	s3 =	simm.s32 @!p0 $0x1082;
	s9 =	sld [smem:$0x3FB0]  }
0x2f: {  	lr =	sadd.s32 s0, s3;
	s0 =	sld [smem:$0x3FA7]  }
0x30: {  	s3 =	sld [smem:$0x3FAA]  }
0x31: {  	[smem:$0x3FB3] =	sst s10  }
0x32: {  	s10 =	sld [smem:$0x3FB1];
	_ =	sdelay $0x3  }
0x33: {  	p0 =	seq.s32 s10, $0x1;
	s10 =	sld [smem:$0x3FB3];
	_ =	sdelay $0x3  }
0x34: {  	[smem:$0x3FB3] =	sst s10  }
0x35: {  	s10 =	sld [smem:$0x3FB2];
	_ =	sdelay $0x3  }
0x36: {  	p1 =	seq.s32 s10, $0x1;
	s10 =	sld [smem:$0x3FB3];
	_ =	sdelay $0x3  }
0x37: {  	[smem:$0x3FB3] =	sst s10  }
0x38: {  	s10 =	sld [smem:$0x3FB4]  }
0x39: {  	_ = 	snop;
	(pc) =	sbr.ind lr, $3  }
0x3a: {  	_ = 	snop  }
0x3b: {  	_ = 	snop  }
0x3c: {  	p2 =	seq.s32 s10, $0x1;
	s10 =	sld [smem:$0x3FB3]  }
0x3d: {  	_ =	shalt  }
0x3e: {  	_ =	shalt  }
0x3f: {  	_ =	shalt  }
0x40: {  	_ =	shalt  }
0x41: {  	_ =	shalt  }
0x42: {  	_ =	shalt  }
0x43: {  	_ =	shalt  }
0x44: {  	_ =	shalt  }
0x45: {  	_ =	shalt  }
0x46: {  	_ =	shalt  }
0x47: {  	_ =	shalt  }
0x48: {  	_ =	shalt  }
0x49: {  	_ =	shalt  }
0x4a: {  	_ =	shalt  }
0x4b: {  	_ =	shalt  }
0x4c: {  	_ =	shalt  }
0x4d: {  	_ =	shalt  }
0x4e: {  	_ =	shalt  }
0x4f: {  	_ =	shalt  }
0x50: {  	_ =	shalt  }
0x51: {  	_ =	shalt  }
0x52: {  	_ =	shalt  }
0x53: {  	_ =	shalt  }
0x54: {  	_ =	shalt  }
0x55: {  	_ =	shalt  }
0x56: {  	_ =	shalt  }
0x57: {  	_ =	shalt  }
0x58: {  	_ =	shalt  }
0x59: {  	_ =	shalt  }
0x5a: {  	_ =	shalt  }
0x5b: {  	_ =	shalt  }
0x5c: {  	_ =	shalt  }
0x5d: {  	_ =	shalt  }
0x5e: {  	_ =	shalt  }
0x5f: {  	_ =	shalt  }
0x60: {  	_ =	shalt  }
0x61: {  	_ =	shalt  }
0x62: {  	_ =	shalt  }
0x63: {  	_ =	shalt  }
0x64: {  	_ =	shalt  }
0x65: {  	_ =	shalt  }
0x66: {  	_ =	shalt  }
0x67: {  	_ =	shalt  }
0x68: {  	_ =	shalt  }
0x69: {  	_ =	shalt  }
0x6a: {  	_ =	shalt  }
0x6b: {  	_ =	shalt  }
0x6c: {  	_ =	shalt  }
0x6d: {  	_ =	shalt  }
0x6e: {  	_ =	shalt  }
0x6f: {  	_ =	shalt  }
0x70: {  	_ =	shalt  }
0x71: {  	_ =	shalt  }
0x72: {  	_ =	shalt  }
0x73: {  	_ =	shalt  }
0x74: {  	_ =	shalt  }
0x75: {  	_ =	shalt  }
0x76: {  	_ =	shalt  }
0x77: {  	_ =	shalt  }
0x78: {  	_ =	shalt  }
0x79: {  	_ =	shalt  }
0x7a: {  	_ =	shalt  }
0x7b: {  	_ =	shalt  }
0x7c: {  	_ =	shalt  }
0x7d: {  	_ =	shalt  }
0x7e: {  	_ =	shalt  }
0x7f: {  	_ =	shalt  }
0x80: {  	_ =	shalt  }
0x81: {  	_ =	shalt  }
0x82: {  	_ =	shalt  }
0x83: {  	_ =	shalt  }
0x84: {  	_ =	shalt  }
0x85: {  	_ =	shalt  }
0x86: {  	_ =	shalt  }
0x87: {  	_ =	shalt  }
.Lfunc_end0:
.L_simem_size_0:
called_computation_lowered:
.L_overlay_start_0:
0x88: {  	s2 =	sld [smem:$0x3FD9]  }
0x89: {  	s3 =	sld [smem:$0x3FFE];
	_ =	sdelay $0x1  }
0x8a: {  	s1 =	srdreg.scid  }
0x8b: {  	s0 =	sand.u32 $0x1, s1  }
0x8c: {  	s17 =	sshll.u32 s0, $0xA;
	s2 =	sadd.s32 s3, s2  }
0x8d: {  	s2 =	sadd.s32 s2, s17  }
0x8e: {  	[smem:$0x3FBF] =	sst s2  }
0x8f: {  	_ = 	snop  }
0x90: {  	s2 =	sld [smem:$0x3FC9]  }
0x91: {  	s18 =	sld [smem:$0x3FC8]  }
0x92: {  	s4 =	sld [smem:$0x3FC7]  }
0x93: {  	s5 =	sld [smem:$0x3FC1];
	(tm) =	ssettm $0x1  }
0x94: {  	s6 =	sld [smem:$0x3FFB];
	_ =	sdelay $0x3  }
0x95: {  	_ =	strace s6  }
0x96: {  	s6 =	sld [smem:$0x3FFC];
	_ =	sdelay $0x3  }
0x97: {  	_ =	strace s6  }
0x98: {  	s6 =	sld [smem:$0x3FFD];
	_ =	sdelay $0x3  }
0x99: {  	_ =	strace s6  }
0x9a: {  	_ =	strace $0x8FFFFFFF  }
0x9b: {  	s19 =	sld [smem:$0x3FDB];
	_ =	sdelay $0x1  }
0x9c: {  	s7 =	simm.s32 $_scs_section_size  }
0x9d: {  	s8 =	simm.s32 $_size__tile_overlayer_lowered;
	s9 =	simm.s32 $_tile_overlayer_lowered  }
0x9e: {  	s22 =	simm.s32 $0x1BFF;
	s21 =	sshll.u32 s9, $0x1;
	s6 =	sadd.s32 s7, s19  }
0x9f: {  	s10 =	simm.s32 $0x0;
	s20 =	sshll.u32 s8, $0x1;
	s8 =	sadd.s32 s21, s6  }
0xa0: {  	[timem:s10], [sflag:s22] =	dma.local [hbm:s8], s20  }
0xa1: {  	_ =	swait.ge [sflag:s22], s20  }
0xa2: {  	s7 =	ssub.s32 $0x0, s20;
	[sflag:s22] =	ssyncset.done $0x0  }
0xa3: {  	[sflag:s22] =	ssyncadd.s32 s7;
	_ =	sdelay $0x1  }
0xa4: {  	s23 =	simm.s32 $0x1B8B  }
0xa5: {  	_ =	swait.ge [sflag:s23], $0x1  }
0xa6: {  	[sflag:s23] =	ssyncset.done $0x0  }
0xa7: {  	s25 =	simm.s32 $0x1B8E;
	s24 =	sld [smem:$0x3FFE];
	[sflag:s23] =	ssyncadd.s32 $0xFFFFFFFF  }
0xa8: {  	s26 =	simm.s32 $execute0_lowered;
	[smem:$0x3FD2] =	sst s25  }
0xa9: {  	s8 =	sshll.u32 s26, $0x1;
	_ =	strace $0x80000046;
	[dreg:$0x1] =	wrdreg $0xFFFFFFFF  }
0xaa: {  	s28 =	simm.s32 $_size_execute0_lowered;
	s6 =	sadd.s32 s6, s8;
	[dreg:$0x0] =	wrdreg $0x0  }
0xab: {  	s8 =	sshll.u32 s28, $0x1;
	[dreg:$0x2] =	wrdreg s6  }
0xac: {  	[dreg:$0x3] =	wrdreg s8  }
0xad: {  	[dreg:$0x4] =	wrdreg $0xC0  }
0xae: {  	_ =	task [dreg:s10], $0x5FFFF  }
0xaf: {  	[dreg:$0x1] =	wrdreg $0xFFFFFFFF  }
0xb0: {  	[dreg:$0x0] =	wrdreg $0x60  }
0xb1: {  	[dreg:$0x2] =	wrdreg s24  }
0xb2: {  	[dreg:$0x3] =	wrdreg s5  }
0xb3: {  	[dreg:$0x4] =	wrdreg s2  }
0xb4: {  	[dreg:$0x5] =	wrdreg s18  }
0xb5: {  	[dreg:$0x6] =	wrdreg s4  }
0xb6: {  	[dreg:$0x7] =	wrdreg $0x9  }
0xb7: {  	_ =	task.clear_ibuf [dreg:s10], $0x8FFFF;
	_ =	strace $0x90000046  }
0xb8: {  	s29 =	simm.s32 $0x9;
	_ =	strace $0x80000048  }
0xb9: {  	_ =	swait.ge [sflag:s29], $0x1  }
0xba: {  	[sflag:s29] =	ssyncadd.s32 $0xFFFFFFFF  }
0xbb: {  	_ =	strace $0x90000048  }
0xbc: {  	_ =	sfence  }
0xbd: {  	s30 =	sld [smem:$0x0];
	_ =	sdelay $0x2  }
0xbe: {  	s31 =	sshll.u32 s1, $0xD;
	s1 =	sshrl.u32 s1, $0x2  }
0xbf: {  	s3 =	sand.u32 $0x4000, s31;
	s1 =	sadd.s32 s1, s30  }
0xc0: {  	s0 =	sor.u32 s3, s0;
	s1 =	sshll.u32 s1, $0x11  }
0xc1: {  	s0 =	sor.u32 s1, s0  }
0xc2: {  	s0 =	sadd.s32 $0x8F2B, s0  }
0xc3: {  	[sflag:s0] =	ssyncadd.remote.s32 $0x1  }
0xc4: {  	_ =	sfence.sel $0xFFFF  }
0xc5: {  	[dreg:$0x0] =	wrdreg $0xFFFFFFFF;
	(pc) =	sbr.abs _section_cstart, $3  }
0xc6: {  	[dreg:$0x1] =	wrdreg $0xFFFFFFFF  }
0xc7: {  	_ =	task.clear_ibuf [dreg:s10], $0x2FFFF;
	_ =	strace $0x9FFFFFFF  }
0xc8: {  	(tm) =	ssettm $0x7FFFFFFF  }
0xc9: {  	_ =	shalt  }
tec
execute0_lowered:
.L_overlay_start_1:
0x0: {  	(tag) =	ssettag $0x1  }
0x1: {  	s0 =	rddreg [dreg:$0x0]  }
0x2: {  	s1 =	rddreg [dreg:$0x2]  }
0x3: {  	s3 =	rddreg [dreg:$0x3]  }
0x4: {  	s10 =	rddreg [dreg:$0x4]  }
0x5: {  	s2 =	simm.s32 $0x0;
	s7 =	srdreg.scid;
	s9 =	stileid.u32  }
0x6: {  	s14 =	simm.s32 $0x2;
	s15 =	simm.s32 $0x200;
	s16 =	simm.s32 $0x400  }
0x7: {  	s18 =	simm.s32 $0x80;
	s23 =	simm.s32 $0x280;
	s30 =	simm.s32 $0x300  }
0x8: {  	s20 =	simm.s32 $0x380;
	s21 =	simm.s32 $0x6600;
	s22 =	simm.s32 $0x580  }
0x9: {  	s24 =	simm.s32 $0xE600;
	s25 =	simm.s32 $0x180;
	s28 =	simm.s32 $0x18980  }
0xa: {  	s29 =	simm.s32 $0x1;
	s31 =	simm.s32 $0x10600;
	[smem:$0x7FF] =	sst s2  }
0xb: {  	s4 =	sadd.s32 $0x187200, s0;
	s5 =	sadd.s32 $0x800, s0;
	s6 =	sadd.s32 $0x2800, s0  }
0xc: {  	s8 =	sand.u32 $0x1, s7;
	s9 =	sshll.u32 s9, $0x1;
	s7 =	sadd.s32 $0x21200, s0  }
0xd: {  	_ =	strace $0x80000047;
	s9 =	sor.u32 s8, s9;
	s8 =	ssub.s32 $0x2, s8  }
0xe: {  	s11 =	sshll.u32 s9, $0xC;
	s12 =	sshll.u32 s9, $0x6;
	s26 =	sshrl.u32 s8, $0x1  }
0xf: {  	s11 =	sadd.s32 s11, s0;
	s0 =	sadd.s32 s12, s0;
	s13 =	ssub.s32 s8, s26  }
0x10: {  	s8 =	sadd.s32 s1, s12;
	s9 =	sadd.s32 s3, s12;
	s10 =	sadd.s32 s10, s12  }
0x11: {  	s26 =	simm.s32 $0x18780;
	s3 =	simm.s32 $0x0;
	s11 =	sadd.s32 $0x24400, s11  }
0x12: {  	s12 =	sadd.s32 $0x44400, s0;
	s13 =	smax.u32 s13, $0x1;
	s0 =	simm.s32 $0x18A10  }
.LBB2_1:
0x13: {  	[tilespmem:s2], [sflag:$0x2] =	stream.linear.gather [hbm4b:s8+s2], $0x200, $0x38;
	[tilespmem:$0x18C10] =	vst v63  }
0x14: {  	_ =	swait.ge [sflag:s14], $0x200  }
0x15: {  	[sflag:s14] =	ssyncset.done $0x0  }
0x16: {  	[sflag:s14] =	ssyncadd.s32 $0xFFFFFE00  }
0x17: {  	[tilespmem:s15], [sflag:$0x2] =	stream.linear.gather [hbm4b:s9+s2], $0x200, $0x38;
	[tilespmem:$0x18C10] =	vst v63  }
0x18: {  	_ =	swait.ge [sflag:s14], $0x200  }
0x19: {  	[sflag:s14] =	ssyncset.done $0x0  }
0x1a: {  	[sflag:s14] =	ssyncadd.s32 $0xFFFFFE00  }
0x1b: {  	[tilespmem:s16], [sflag:$0x2] =	stream.linear.gather [hbm4b:s10+s2], $0x200, $0x38;
	[tilespmem:$0x18C10] =	vst v63  }
0x1c: {  	_ =	swait.ge [sflag:s14], $0x200  }
0x1d: {  	[sflag:s14] =	ssyncset.done $0x0  }
0x1e: {  	[sflag:s14] =	ssyncadd.s32 $0xFFFFFE00  }
0x1f: {  	s17 =	simm.s32 $0x18A00;
	s1 =	rddreg [dreg:$0x1]  }
0x20: {  	[tilespmem:s17], [sflag:$0x2] =	stream.linear.gather [hbm4b:s1+s2], $0x1, $0x38;
	[tilespmem:$0x18C10] =	vst v63  }
0x21: {  	_ =	swait.ge [sflag:s14], $0x1  }
0x22: {  	[sflag:s14] =	ssyncset.done $0x0  }
0x23: {  	s19 =	simm.s32 $0x600;
	[sflag:s14] =	ssyncadd.s32 $0xFFFFFFFF  }
0x24: {  	[tilespmem:s19], [sflag:$0x1] =	stream.indirect.gather [hbm4b:s4+s18], $0x40, s15, s18, $0xb8;
	[tilespmem:$0x18C10] =	vst v63  }
0x25: {  	s17 =	simm.s32 $0x8600  }
0x26: {  	[tilespmem:s17], [sflag:$0x1] =	stream.indirect.gather [hbm4b:s5+s18], $0x40, s16, s18, $0xb8;
	[tilespmem:$0x18C10] =	vst v63  }
0x27: {  	s19 =	simm.s32 $0x18600  }
0x28: {  	[tilespmem:s19], [sflag:$0x1] =	stream.indirect.gather [hbm4b:s6+s18], $0x1, s2, s18, $0xb8;
	[tilespmem:$0x18C10] =	vst v63  }
0x29: {  	s17 =	simm.s32 $0x18800  }
0x2a: {  	[tilespmem:s17], [sflag:$0x1] =	stream.indirect.gather [hbm4b:s7+s18], $0x1, s15, s18, $0xb8;
	[tilespmem:$0x18C10] =	vst v63  }
0x2b: {  	s19 =	simm.s32 $0x2600  }
0x2c: {  	[tilespmem:s19], [sflag:$0x1] =	stream.indirect.gather [hbm4b:s4+s18], $0x40, s23, s18, $0xb8;
	[tilespmem:$0x18C10] =	vst v63  }
0x2d: {  	s17 =	simm.s32 $0x480;
	s19 =	simm.s32 $0xA600  }
0x2e: {  	[tilespmem:s19], [sflag:$0x1] =	stream.indirect.gather [hbm4b:s5+s18], $0x40, s17, s18, $0xb8;
	[tilespmem:$0x18C10] =	vst v63  }
0x2f: {  	s19 =	simm.s32 $0x18680  }
0x30: {  	[tilespmem:s19], [sflag:$0x1] =	stream.indirect.gather [hbm4b:s6+s18], $0x1, s18, s18, $0xb8;
	[tilespmem:$0x18C10] =	vst v63  }
0x31: {  	s17 =	simm.s32 $0x18880  }
0x32: {  	[tilespmem:s17], [sflag:$0x1] =	stream.indirect.gather [hbm4b:s7+s18], $0x1, s23, s18, $0xb8;
	[tilespmem:$0x18C10] =	vst v63  }
0x33: {  	s19 =	simm.s32 $0x4600  }
0x34: {  	[tilespmem:s19], [sflag:$0x1] =	stream.indirect.gather [hbm4b:s4+s18], $0x40, s30, s18, $0xb8;
	[tilespmem:$0x18C10] =	vst v63  }
0x35: {  	s17 =	simm.s32 $0x500;
	s19 =	simm.s32 $0xC600  }
0x36: {  	[tilespmem:s19], [sflag:$0x1] =	stream.indirect.gather [hbm4b:s5+s18], $0x40, s17, s18, $0xb8;
	[tilespmem:$0x18C10] =	vst v63  }
0x37: {  	s17 =	simm.s32 $0x100;
	s19 =	simm.s32 $0x18700  }
0x38: {  	[tilespmem:s19], [sflag:$0x1] =	stream.indirect.gather [hbm4b:s6+s18], $0x1, s17, s18, $0xb8;
	[tilespmem:$0x18C10] =	vst v63  }
0x39: {  	s19 =	simm.s32 $0x18900  }
0x3a: {  	[tilespmem:s19], [sflag:$0x1] =	stream.indirect.gather [hbm4b:s7+s18], $0x1, s30, s18, $0xb8;
	[tilespmem:$0x18C10] =	vst v63  }
0x3b: {  	_ = 	snop  }
0x3c: {  	[tilespmem:s21], [sflag:$0x1] =	stream.indirect.gather [hbm4b:s4+s18], $0x40, s20, s18, $0xb8;
	[tilespmem:$0x18C10] =	vst v63  }
0x3d: {  	_ = 	snop  }
0x3e: {  	[tilespmem:s24], [sflag:$0x1] =	stream.indirect.gather [hbm4b:s5+s18], $0x40, s22, s18, $0xb8;
	[tilespmem:$0x18C10] =	vst v63  }
0x3f: {  	_ = 	snop  }
0x40: {  	[tilespmem:s26], [sflag:$0x1] =	stream.indirect.gather [hbm4b:s6+s18], $0x1, s25, s18, $0xb8;
	[tilespmem:$0x18C10] =	vst v63  }
0x41: {  	_ = 	snop  }
0x42: {  	[tilespmem:s28], [sflag:$0x1] =	stream.indirect.gather [hbm4b:s7+s18], $0x1, s20, s18, $0xb8;
	[tilespmem:$0x18C10] =	vst v63  }
0x43: {  	_ =	swait.ge [sflag:s29], $0x2000  }
0x44: {  	[sflag:s29] =	ssyncset.done $0x0  }
0x45: {  	[sflag:s29] =	ssyncadd.s32 $0xFFFFE000  }
0x46: {  	_ =	swait.ge [sflag:s29], $0x2000  }
0x47: {  	[sflag:s29] =	ssyncset.done $0x0  }
0x48: {  	[sflag:s29] =	ssyncadd.s32 $0xFFFFE000  }
0x49: {  	_ =	swait.ge [sflag:s29], $0x80  }
0x4a: {  	[sflag:s29] =	ssyncset.done $0x0  }
0x4b: {  	[sflag:s29] =	ssyncadd.s32 $0xFFFFFF80  }
0x4c: {  	_ =	swait.ge [sflag:s29], $0x80  }
0x4d: {  	[sflag:s29] =	ssyncset.done $0x0  }
0x4e: {  	[sflag:s29] =	ssyncadd.s32 $0xFFFFFF80  }
0x4f: {  	_ =	swait.ge [sflag:s29], $0x2000  }
0x50: {  	[sflag:s29] =	ssyncset.done $0x0  }
0x51: {  	[sflag:s29] =	ssyncadd.s32 $0xFFFFE000  }
0x52: {  	_ =	swait.ge [sflag:s29], $0x2000  }
0x53: {  	[sflag:s29] =	ssyncset.done $0x0  }
0x54: {  	[sflag:s29] =	ssyncadd.s32 $0xFFFFE000  }
0x55: {  	_ =	swait.ge [sflag:s29], $0x80  }
0x56: {  	[sflag:s29] =	ssyncset.done $0x0  }
0x57: {  	[sflag:s29] =	ssyncadd.s32 $0xFFFFFF80  }
0x58: {  	_ =	swait.ge [sflag:s29], $0x80  }
0x59: {  	[sflag:s29] =	ssyncset.done $0x0  }
0x5a: {  	[sflag:s29] =	ssyncadd.s32 $0xFFFFFF80  }
0x5b: {  	_ =	swait.ge [sflag:s29], $0x2000  }
0x5c: {  	[sflag:s29] =	ssyncset.done $0x0  }
0x5d: {  	[sflag:s29] =	ssyncadd.s32 $0xFFFFE000  }
0x5e: {  	_ =	swait.ge [sflag:s29], $0x2000  }
0x5f: {  	[sflag:s29] =	ssyncset.done $0x0  }
0x60: {  	[sflag:s29] =	ssyncadd.s32 $0xFFFFE000  }
0x61: {  	_ =	swait.ge [sflag:s29], $0x80  }
0x62: {  	[sflag:s29] =	ssyncset.done $0x0  }
0x63: {  	[sflag:s29] =	ssyncadd.s32 $0xFFFFFF80  }
0x64: {  	_ =	swait.ge [sflag:s29], $0x80  }
0x65: {  	[sflag:s29] =	ssyncset.done $0x0  }
0x66: {  	[sflag:s29] =	ssyncadd.s32 $0xFFFFFF80  }
0x67: {  	_ =	swait.ge [sflag:s29], $0x2000  }
0x68: {  	[sflag:s29] =	ssyncset.done $0x0  }
0x69: {  	[sflag:s29] =	ssyncadd.s32 $0xFFFFE000  }
0x6a: {  	_ =	swait.ge [sflag:s29], $0x2000  }
0x6b: {  	[sflag:s29] =	ssyncset.done $0x0  }
0x6c: {  	[sflag:s29] =	ssyncadd.s32 $0xFFFFE000  }
0x6d: {  	_ =	swait.ge [sflag:s29], $0x80  }
0x6e: {  	[sflag:s29] =	ssyncset.done $0x0  }
0x6f: {  	[sflag:s29] =	ssyncadd.s32 $0xFFFFFF80  }
0x70: {  	_ =	swait.ge [sflag:s29], $0x80  }
0x71: {  	[sflag:s29] =	ssyncset.done $0x0  }
0x72: {  	s17 =	simm.s32 $0x0;
	[sflag:s29] =	ssyncadd.s32 $0xFFFFFF80  }
0x73: {  	v3 =	vld [tilespmem:s17+$0x8630]  }
0x74: {  	v4 =	vld [tilespmem:s17+$0x8600]  }
0x75: {  	v6 =	vld [tilespmem:s17+$0x630]  }
0x76: {  	v1 =	vld [tilespmem:s17+$0x8610]  }
0x77: {  	v0 =	vld [tilespmem:s17+$0x8620]  }
0x78: {  	v2 =	vld [tilespmem:s17+$0x600];
	v7 =	vmul.f32 $3.000000120e-01, v3  }
0x79: {  	v3 =	vld [tilespmem:s17+$0x610]  }
0x7a: {  	s1 =	simm.s32 $0x40;
	s19 =	simm.s32 $0x200;
	v5 =	vmul.f32 $3.000000120e-01, v4;
	v4 =	vld [tilespmem:s17+$0x620];
	v6 =	vadd.f32 v7, v6  }
.LBB2_2:
0x7b: {  	p0 =	sne.s32 s19, $0x1FF00;
	v7 =	vld [tilespmem:s1+$0x8630];
	v8 =	vmul.f32 $3.000000120e-01, v1  }
0x7c: {  	v9 =	vld [tilespmem:s1+$0x8600];
	v10 =	vmul.f32 $3.000000120e-01, v0;
	[tilespmem:s17+$0x10630] =	vst v6  }
0x7d: {  	v6 =	vld [tilespmem:s1+$0x630];
	v2 =	vadd.f32 v5, v2  }
.Ltmp0:
0x7e: {  	v1 =	vld [tilespmem:s1+$0x8610];
	v3 =	vadd.f32 v8, v3;
	(pc) =	sbr.rel @p0 .LBB2_2-.Ltmp0, $4  }
0x7f: {  	v0 =	vld [tilespmem:s1+$0x8620];
	[tilespmem:s17+$0x10600] =	vst v2;
	v4 =	vadd.f32 v10, v4  }
0x80: {  	v2 =	vld [tilespmem:s1+$0x600];
	v7 =	vmul.f32 $3.000000120e-01, v7;
	[tilespmem:s17+$0x10610] =	vst v3  }
0x81: {  	v5 =	vmul.f32 $3.000000120e-01, v9;
	v3 =	vld [tilespmem:s1+$0x610];
	[tilespmem:s17+$0x10620] =	vst v4;
	s17 =	smov.u32 s1  }
0x82: {  	s1 =	sshra.s32 s19, $0x2;
	s19 =	sadd.s32 $0x100, s19;
	v4 =	vld [tilespmem:s17+$0x620];
	v6 =	vadd.f32 v7, v6  }
0x83: {  	v7 =	vld [tilespmem:s1+$0x8630]  }
0x84: {  	v8 =	vld [tilespmem:s1+$0x8600];
	v1 =	vmul.f32 $3.000000120e-01, v1;
	[tilespmem:s17+$0x10630] =	vst v6  }
0x85: {  	v0 =	vmul.f32 $3.000000120e-01, v0;
	v6 =	vld [tilespmem:s1+$0x630];
	v2 =	vadd.f32 v5, v2  }
0x86: {  	v61 =	vld [tilespmem:s1+$0x8610];
	v1 =	vadd.f32 v1, v3  }
0x87: {  	v9 =	vld [tilespmem:s1+$0x8620];
	[tilespmem:s17+$0x10600] =	vst v2;
	v0 =	vadd.f32 v0, v4  }
0x88: {  	v2 =	vld [tilespmem:s1+$0x600];
	[tilespmem:s17+$0x10610] =	vst v1  }
0x89: {  	v1 =	vld [tilespmem:s1+$0x610];
	[tilespmem:s17+$0x10620] =	vst v0  }
0x8a: {  	v0 =	vmul.f32 $3.000000120e-01, v7;
	v3 =	vld [tilespmem:s1+$0x620]  }
0x8b: {  	v62 =	vmul.f32 $3.000000120e-01, v8  }
0x8c: {  	v5 =	vmul.f32 $3.000000120e-01, v61;
	v0 =	vadd.f32 v0, v6  }
0x8d: {  	v63 =	vmul.f32 $3.000000120e-01, v9;
	v2 =	vadd.f32 v62, v2  }
0x8e: {  	[tilespmem:s1+$0x10630] =	vst v0;
	v0 =	vadd.f32 v5, v1  }
0x8f: {  	[tilespmem:s1+$0x10600] =	vst v2;
	v1 =	vadd.f32 v63, v3  }
0x90: {  	[tilespmem:s1+$0x10610] =	vst v0  }
0x91: {  	[tilespmem:s1+$0x10620] =	vst v1;
	s1 =	simm.s32 $0x0  }
0x92: {  	v1 =	vld [tilespmem:s1+$0x18600]  }
0x93: {  	v2 =	vld [tilespmem:s1+$0x18800];
	_ =	sdelay $0x1  }
0x94: {  	v0 =	vld.msk [tilespmem:$0x18A00 ss:$0x0], $0xffff  }
0x95: {  	s17 =	simm.s32 $0x40  }
.LBB2_4:
0x96: {  	s19 =	sshra.s32 s17, $0x2;
	p0 =	sne.s32 s17, $0x7C0  }
.Ltmp1:
0x97: {  	s17 =	sadd.s32 $0x40, s17;
	v3 =	vadd.f32 v2, v1;
	v1 =	vld [tilespmem:s19+$0x18600];
	(pc) =	sbr.rel @p0 .LBB2_4-.Ltmp1, $3  }
0x98: {  	v2 =	vld [tilespmem:s19+$0x18800]  }
0x99: {  	v3 =	vadd.f32 v3, v0;
	_ =	sdelay $0x1  }
0x9a: {  	[tilespmem:s1+$0x18A10] =	vst v3;
	s1 =	smov.u32 s19  }
0x9b: {  	_ = 	snop  }
0x9c: {  	v1 =	vadd.f32 v2, v1;
	_ =	sdelay $0x1  }
0x9d: {  	v0 =	vadd.f32 v1, v0;
	_ =	sdelay $0x1  }
0x9e: {  	[tilespmem:s1+$0x18A10] =	vst v0  }
0x9f: {  	[hbm4b:s11+s2] =	stream.linear.scatter [tilespmem:s31], [sflag:$0x2], $0x8000, $0x38;
	[tilespmem:$0x18C10] =	vst v63  }
0xa0: {  	s3 =	sadd.s32 $0x1, s3;
	_ =	swait.ge [sflag:s14], $0x8000  }
0xa1: {  	p0 =	sne.s32 s3, s13;
	[sflag:s14] =	ssyncset.done $0x0  }
.Ltmp2:
0xa2: {  	[sflag:s14] =	ssyncadd.s32 $0xFFFF8000;
	(pc) =	sbr.rel @p0 .LBB2_1-.Ltmp2, $4  }
0xa3: {  	[hbm4b:s12+s2] =	stream.linear.scatter [tilespmem:s0], [sflag:$0x2], $0x200, $0x38;
	[tilespmem:$0x18C10] =	vst v63  }
0xa4: {  	_ =	swait.ge [sflag:s14], $0x200  }
0xa5: {  	[sflag:s14] =	ssyncset.done $0x0  }
0xa6: {  	[sflag:s14] =	ssyncadd.s32 $0xFFFFFE00  }
0xa7: {  	_ =	sfence.sel $0x180000  }
0xa8: {  	[bflag:$0x0] =	sbarrier.arrive $0xFFFF  }
0xa9: {  	_ =	strace $0x90000047  }
0xaa: {  	s0 =	stileid.u32;
	[bflag:$0x2] =	sbarrier.arrive $0xFFFF  }
0xab: {  	p0 =	sne.s32 s0, $0x0;
	s0 =	rddreg [dreg:$0x5]  }
0xac: {  	s0 =	sadd.s32 @!p0 $0x100000, s0  }
0xad: {  	[sflag:s0] =	ssyncadd.tile.s32 @!p0 $0x1;
	_ =	shalt  }
.Lfunc_end2:
_tile_overlayer_lowered:
.L_overlay_start_2:
0xae: {  	(tag) =	ssettag $0x2  }
0xaf: {  	s0 =	rddreg [dreg:$0x0];
	s2 =	stileid.u32  }
0xb0: {  	s1 =	rddreg [dreg:$0x1];
	p0 =	sne.s32 s2, $0x0  }
0xb1: {  	s3 =	rddreg [dreg:$0x2];
	[bflag:$0x3] =	sbarrier.arrive $0xFFFF;
	s2 =	simm.s32 @!p0 $0x1C02  }
0xb2: {  	[timem:s3], [sflag:s2] =	dma.local @!p0 [hbm:s0], s1  }
0xb3: {  	s0 =	simm.s32 @!p0 $0x2  }
0xb4: {  	_ =	swait.ge @!p0 [sflag:s0], s1  }
0xb5: {  	s1 =	ssub.s32 @!p0 $0x0, s1;
	[sflag:s0] =	ssyncset.done @!p0 $0x0  }
0xb6: {  	[sflag:s0] =	ssyncadd.s32 @!p0 s1  }
0xb7: {  	[bflag:$0x3] =	sbarrier.arrive $0xFFFF  }
0xb8: {  	_ =	shalt  }

// kernel: kernel.8.cloned.1.call-start
scs
__scs_entry_jumppad:
0x0: {  	(pc) =	sbr.rel $0x88, $3  }
0x1: {  	(tag) =	ssettag $0x0;
	lr =	simm.s32 $0x1  }
0x2: {  	[smem:$0x3F98] =	sst lr;
	_ =	strace $0xD0000000  }
0x3: {  	_ = 	snop  }
0x4: {  	_ = 	snop  }
0x5: {  	_ = 	snop  }
0x6: {  	_ = 	snop  }
0x7: {  	_ = 	snop  }
__scs_overlays_trampoline_lowered:
0x8: {  	[smem:$0x3FA7] =	sst s0  }
0x9: {  	[smem:$0x3FA8] =	sst s1  }
0xa: {  	[smem:$0x3FA9] =	sst s2  }
0xb: {  	[smem:$0x3FAA] =	sst s3  }
0xc: {  	[smem:$0x3FAB] =	sst s4  }
0xd: {  	[smem:$0x3FAC] =	sst s5  }
0xe: {  	[smem:$0x3FAD] =	sst s6  }
0xf: {  	[smem:$0x3FAE] =	sst s7  }
0x10: {  	[smem:$0x3FAF] =	sst s8  }
0x11: {  	[smem:$0x3FB0] =	sst s9;
	s0 =	simm.s32 @!p0 $0x0  }
0x12: {  	s1 =	sld [smem:$0x3F96];
	s0 =	simm.s32 @p0 $0x1  }
0x13: {  	[smem:$0x3FB1] =	sst s0;
	s0 =	simm.s32 @!p1 $0x0  }
0x14: {  	s2 =	sld [smem:$0x3F95];
	s0 =	simm.s32 @p1 $0x1  }
0x15: {  	[smem:$0x3FB2] =	sst s0;
	s0 =	simm.s32 @!p2 $0x0  }
0x16: {  	s3 =	sld [smem:$0x3FDB];
	s0 =	simm.s32 @p2 $0x1  }
0x17: {  	s4 =	simm.s32 $0x1BF5;
	[smem:$0x3FB4] =	sst s0  }
0x18: {  	s0 =	sld [smem:$0x3F97];
	_ =	swait.ge [sflag:s4], $0x0  }
0x19: {  	s7 =	sld [smem:$0x3F98]  }
0x1a: {  	s8 =	sadd.s32 $0xFFFFE003, lr  }
0x1b: {  	s9 =	sadd.s32 $0xFFFFFEF7, lr;
	s5 =	simm.s32 $0xFFFFFFFF;
	p2 =	slt.u32 s8, $0xFFFFF086  }
0x1c: {  	p1 =	slt.u32 s9, $0xF7A;
	s5 =	simm.s32 @!p2 $0x0  }
0x1d: {  	s5 =	simm.s32 @p1 $0x1;
	p0 =	seq.s32 s7, s2  }
0x1e: {  	s7 =	smul.u32 @!p0 $0xF7A, s2;
	p2 =	seq.s32 @!p0 s5, $0x0  }
0x1f: {  	s9 =	smul.u32 $0xF7A, s1;
	s8 =	simm.s32 @!p0 $0x1BF5;
	p2 =	por !p2, p0  }
0x20: {  	[sflag:s8] =	ssyncset.s32 @!p0 $0xFFFFF086;
	s6 =	sadd.s32 @!p0 s3, s7;
	s7 =	simm.s32 @!p0 $0x108  }
0x21: {  	s3 =	sadd.s32 s3, s9;
	s6 =	sadd.s32 @!p0 $0x88, s6;
	s7 =	simm.s32 @p2 $0x1082  }
0x22: {  	[simem:s7], [sflag:s8] =	dma.local @!p0 [hbm:s6], $0xF7A  }
0x23: {  	s9 =	sor.u32 $0xD0000000, s2;
	s6 =	simm.s32 $0x108;
	_ =	swait.ge @!p0 [sflag:s8], $0x0  }
0x24: {  	s3 =	sadd.s32 $0x88, s3;
	s6 =	simm.s32 @!p1 $0x1082;
	[sflag:s4] =	ssyncset.s32 $0xFFFFF086  }
0x25: {  	[simem:s6], [sflag:s4] =	dma.local [hbm:s3], $0xF7A  }
0x26: {  	[smem:$0x3F98] =	sst s1;
	(tag) =	ssettag s2;
	_ =	strace s9  }
0x27: {  	s1 =	sld [smem:$0x3FA8]  }
0x28: {  	s2 =	sld [smem:$0x3FA9]  }
0x29: {  	s4 =	sld [smem:$0x3FAB]  }
0x2a: {  	p0 =	seq.s32 s5, $0x0;
	s5 =	sld [smem:$0x3FAC]  }
0x2b: {  	s6 =	sld [smem:$0x3FAD]  }
0x2c: {  	s7 =	sld [smem:$0x3FAE]  }
0x2d: {  	s3 =	simm.s32 $0x108;
	s8 =	sld [smem:$0x3FAF]  }
0x2e: {  	s3 =	simm.s32 @!p0 $0x1082;
	s9 =	sld [smem:$0x3FB0]  }
0x2f: {  	lr =	sadd.s32 s0, s3;
	s0 =	sld [smem:$0x3FA7]  }
0x30: {  	s3 =	sld [smem:$0x3FAA]  }
0x31: {  	[smem:$0x3FB3] =	sst s10  }
0x32: {  	s10 =	sld [smem:$0x3FB1];
	_ =	sdelay $0x3  }
0x33: {  	p0 =	seq.s32 s10, $0x1;
	s10 =	sld [smem:$0x3FB3];
	_ =	sdelay $0x3  }
0x34: {  	[smem:$0x3FB3] =	sst s10  }
0x35: {  	s10 =	sld [smem:$0x3FB2];
	_ =	sdelay $0x3  }
0x36: {  	p1 =	seq.s32 s10, $0x1;
	s10 =	sld [smem:$0x3FB3];
	_ =	sdelay $0x3  }
0x37: {  	[smem:$0x3FB3] =	sst s10  }
0x38: {  	s10 =	sld [smem:$0x3FB4]  }
0x39: {  	_ = 	snop;
	(pc) =	sbr.ind lr, $3  }
0x3a: {  	_ = 	snop  }
0x3b: {  	_ = 	snop  }
0x3c: {  	p2 =	seq.s32 s10, $0x1;
	s10 =	sld [smem:$0x3FB3]  }
0x3d: {  	_ =	shalt  }
0x3e: {  	_ =	shalt  }
0x3f: {  	_ =	shalt  }
0x40: {  	_ =	shalt  }
0x41: {  	_ =	shalt  }
0x42: {  	_ =	shalt  }
0x43: {  	_ =	shalt  }
0x44: {  	_ =	shalt  }
0x45: {  	_ =	shalt  }
0x46: {  	_ =	shalt  }
0x47: {  	_ =	shalt  }
0x48: {  	_ =	shalt  }
0x49: {  	_ =	shalt  }
0x4a: {  	_ =	shalt  }
0x4b: {  	_ =	shalt  }
0x4c: {  	_ =	shalt  }
0x4d: {  	_ =	shalt  }
0x4e: {  	_ =	shalt  }
0x4f: {  	_ =	shalt  }
0x50: {  	_ =	shalt  }
0x51: {  	_ =	shalt  }
0x52: {  	_ =	shalt  }
0x53: {  	_ =	shalt  }
0x54: {  	_ =	shalt  }
0x55: {  	_ =	shalt  }
0x56: {  	_ =	shalt  }
0x57: {  	_ =	shalt  }
0x58: {  	_ =	shalt  }
0x59: {  	_ =	shalt  }
0x5a: {  	_ =	shalt  }
0x5b: {  	_ =	shalt  }
0x5c: {  	_ =	shalt  }
0x5d: {  	_ =	shalt  }
0x5e: {  	_ =	shalt  }
0x5f: {  	_ =	shalt  }
0x60: {  	_ =	shalt  }
0x61: {  	_ =	shalt  }
0x62: {  	_ =	shalt  }
0x63: {  	_ =	shalt  }
0x64: {  	_ =	shalt  }
0x65: {  	_ =	shalt  }
0x66: {  	_ =	shalt  }
0x67: {  	_ =	shalt  }
0x68: {  	_ =	shalt  }
0x69: {  	_ =	shalt  }
0x6a: {  	_ =	shalt  }
0x6b: {  	_ =	shalt  }
0x6c: {  	_ =	shalt  }
0x6d: {  	_ =	shalt  }
0x6e: {  	_ =	shalt  }
0x6f: {  	_ =	shalt  }
0x70: {  	_ =	shalt  }
0x71: {  	_ =	shalt  }
0x72: {  	_ =	shalt  }
0x73: {  	_ =	shalt  }
0x74: {  	_ =	shalt  }
0x75: {  	_ =	shalt  }
0x76: {  	_ =	shalt  }
0x77: {  	_ =	shalt  }
0x78: {  	_ =	shalt  }
0x79: {  	_ =	shalt  }
0x7a: {  	_ =	shalt  }
0x7b: {  	_ =	shalt  }
0x7c: {  	_ =	shalt  }
0x7d: {  	_ =	shalt  }
0x7e: {  	_ =	shalt  }
0x7f: {  	_ =	shalt  }
0x80: {  	_ =	shalt  }
0x81: {  	_ =	shalt  }
0x82: {  	_ =	shalt  }
0x83: {  	_ =	shalt  }
0x84: {  	_ =	shalt  }
0x85: {  	_ =	shalt  }
0x86: {  	_ =	shalt  }
0x87: {  	_ =	shalt  }
.Lfunc_end0:
.L_simem_size_0:
called_computation.1_lowered:
.L_overlay_start_0:
0x88: {  	s2 =	sld [smem:$0x3FD9]  }
0x89: {  	s3 =	sld [smem:$0x3FFE];
	_ =	sdelay $0x1  }
0x8a: {  	s1 =	srdreg.scid  }
0x8b: {  	s0 =	sand.u32 $0x1, s1  }
0x8c: {  	s17 =	sshll.u32 s0, $0xA;
	s2 =	sadd.s32 s3, s2  }
0x8d: {  	s2 =	sadd.s32 s2, s17  }
0x8e: {  	[smem:$0x3FBF] =	sst s2  }
0x8f: {  	_ = 	snop  }
0x90: {  	s2 =	sld [smem:$0x3FC9]  }
0x91: {  	s18 =	sld [smem:$0x3FD0];
	(tm) =	ssettm $0x1  }
0x92: {  	s4 =	sld [smem:$0x3FFB];
	_ =	sdelay $0x3  }
0x93: {  	_ =	strace s4  }
0x94: {  	s4 =	sld [smem:$0x3FFC];
	_ =	sdelay $0x3  }
0x95: {  	_ =	strace s4  }
0x96: {  	s4 =	sld [smem:$0x3FFD];
	_ =	sdelay $0x3  }
0x97: {  	_ =	strace s4  }
0x98: {  	_ =	strace $0x8FFFFFFF  }
0x99: {  	s19 =	sld [smem:$0x3FDB];
	_ =	sdelay $0x1  }
0x9a: {  	s5 =	simm.s32 $_scs_section_size  }
0x9b: {  	s6 =	simm.s32 $_size__tile_overlayer_lowered;
	s7 =	simm.s32 $_tile_overlayer_lowered  }
0x9c: {  	s22 =	simm.s32 $0x1BFF;
	s21 =	sshll.u32 s7, $0x1;
	s4 =	sadd.s32 s5, s19  }
0x9d: {  	s8 =	simm.s32 $0x0;
	s20 =	sshll.u32 s6, $0x1;
	s6 =	sadd.s32 s21, s4  }
0x9e: {  	[timem:s8], [sflag:s22] =	dma.local [hbm:s6], s20  }
0x9f: {  	_ =	swait.ge [sflag:s22], s20  }
0xa0: {  	s5 =	ssub.s32 $0x0, s20;
	[sflag:s22] =	ssyncset.done $0x0  }
0xa1: {  	[sflag:s22] =	ssyncadd.s32 s5;
	_ =	sdelay $0x1  }
0xa2: {  	s23 =	simm.s32 $0x1B8B  }
0xa3: {  	_ =	swait.ge [sflag:s23], $0x1  }
0xa4: {  	[sflag:s23] =	ssyncset.done $0x0  }
0xa5: {  	s25 =	simm.s32 $0x1B8E;
	s24 =	sld [smem:$0x3FFE];
	[sflag:s23] =	ssyncadd.s32 $0xFFFFFFFF  }
0xa6: {  	s26 =	simm.s32 $execute0_lowered;
	[smem:$0x3FD2] =	sst s25  }
0xa7: {  	s6 =	sshll.u32 s26, $0x1;
	_ =	strace $0x80000049;
	[dreg:$0x1] =	wrdreg $0xFFFFFFFF  }
0xa8: {  	s28 =	simm.s32 $_size_execute0_lowered;
	s4 =	sadd.s32 s4, s6;
	[dreg:$0x0] =	wrdreg $0x0  }
0xa9: {  	s6 =	sshll.u32 s28, $0x1;
	[dreg:$0x2] =	wrdreg s4  }
0xaa: {  	[dreg:$0x3] =	wrdreg s6  }
0xab: {  	[dreg:$0x4] =	wrdreg $0xC0  }
0xac: {  	_ =	task [dreg:s8], $0x5FFFF  }
0xad: {  	[dreg:$0x1] =	wrdreg $0xFFFFFFFF  }
0xae: {  	[dreg:$0x0] =	wrdreg $0x60  }
0xaf: {  	[dreg:$0x2] =	wrdreg s24  }
0xb0: {  	[dreg:$0x3] =	wrdreg s2  }
0xb1: {  	[dreg:$0x4] =	wrdreg s18  }
0xb2: {  	[dreg:$0x5] =	wrdreg $0x9  }
0xb3: {  	_ =	task.clear_ibuf [dreg:s8], $0x6FFFF;
	_ =	strace $0x90000049  }
0xb4: {  	s29 =	simm.s32 $0x9;
	_ =	strace $0x8000004B  }
0xb5: {  	_ =	swait.ge [sflag:s29], $0x1  }
0xb6: {  	[sflag:s29] =	ssyncadd.s32 $0xFFFFFFFF  }
0xb7: {  	_ =	strace $0x9000004B  }
0xb8: {  	_ =	sfence  }
0xb9: {  	s30 =	sld [smem:$0x0];
	_ =	sdelay $0x2  }
0xba: {  	s31 =	sshll.u32 s1, $0xD;
	s1 =	sshrl.u32 s1, $0x2  }
0xbb: {  	s3 =	sand.u32 $0x4000, s31;
	s1 =	sadd.s32 s1, s30  }
0xbc: {  	s0 =	sor.u32 s3, s0;
	s1 =	sshll.u32 s1, $0x11  }
0xbd: {  	s0 =	sor.u32 s1, s0  }
0xbe: {  	s0 =	sadd.s32 $0x8F2B, s0  }
0xbf: {  	[sflag:s0] =	ssyncadd.remote.s32 $0x1  }
0xc0: {  	_ =	sfence.sel $0xFFFF  }
0xc1: {  	[dreg:$0x0] =	wrdreg $0xFFFFFFFF;
	(pc) =	sbr.abs _section_cstart, $3  }
0xc2: {  	[dreg:$0x1] =	wrdreg $0xFFFFFFFF  }
0xc3: {  	_ =	task.clear_ibuf [dreg:s8], $0x2FFFF;
	_ =	strace $0x9FFFFFFF  }
0xc4: {  	(tm) =	ssettm $0x7FFFFFFF  }
0xc5: {  	_ =	shalt  }
tec
execute0_lowered:
.L_overlay_start_1:
0x0: {  	(tag) =	ssettag $0x1  }
0x1: {  	s4 =	rddreg [dreg:$0x0]  }
0x2: {  	s5 =	rddreg [dreg:$0x1]  }
0x3: {  	s7 =	rddreg [dreg:$0x2]  }
0x4: {  	s0 =	rddreg [dreg:$0x3];
	s2 =	simm.s32 $0x0  }
0x5: {  	s3 =	srdreg.scid;
	s1 =	stileid.u32;
	s12 =	simm.s32 $0x80  }
0x6: {  	s13 =	simm.s32 $0x200;
	s14 =	simm.s32 $0x4200;
	s15 =	simm.s32 $0x100  }
0x7: {  	s16 =	simm.s32 $0x8200;
	s17 =	simm.s32 $0x180;
	s18 =	simm.s32 $0xC200  }
0x8: {  	s19 =	simm.s32 $0x1;
	s20 =	simm.s32 $0x18400;
	s21 =	simm.s32 $0x0  }
0x9: {  	[smem:$0x7FF] =	sst s2;
	s6 =	sand.u32 $0x1, s3;
	s8 =	sshll.u32 s1, $0x1  }
0xa: {  	s3 =	sadd.s32 $0x118CC00, s4;
	_ =	strace $0x8000004A;
	s8 =	sor.u32 s6, s8  }
0xb: {  	s6 =	ssub.s32 $0x2, s6;
	s9 =	sshll.u32 s8, $0xC;
	s8 =	sshll.u32 s8, $0x6  }
0xc: {  	s10 =	sshrl.u32 s6, $0x1;
	s9 =	sadd.s32 s9, s4;
	s11 =	sadd.s32 s8, s4  }
0xd: {  	s10 =	ssub.s32 s6, s10;
	s4 =	sadd.s32 s5, s8;
	s7 =	sadd.s32 s7, s8  }
0xe: {  	s5 =	sadd.s32 $0x24400, s9;
	s6 =	sadd.s32 $0x44400, s11;
	s8 =	smax.u32 s10, $0x1  }
0xf: {  	vm0 =	vcmask $0x3F3C;
	s9 =	simm.s32 $0x2;
	s10 =	simm.s32 $0x10200;
	s11 =	simm.s32 $0x18200  }
.LBB2_1:
0x10: {  	[tilespmem:s2], [sflag:$0x2] =	stream.linear.gather [hbm4b:s4+s2], $0x200, $0x38;
	[tilespmem:$0x18600] =	vst v63  }
0x11: {  	_ =	swait.ge [sflag:s9], $0x200  }
0x12: {  	[sflag:s9] =	ssyncset.done $0x0  }
0x13: {  	[sflag:s9] =	ssyncadd.s32 $0xFFFFFE00  }
0x14: {  	[tilespmem:s10], [sflag:$0x2] =	stream.linear.gather [hbm4b:s5+s2], $0x8000, $0x38;
	[tilespmem:$0x18600] =	vst v63  }
0x15: {  	_ =	swait.ge [sflag:s9], $0x8000  }
0x16: {  	[sflag:s9] =	ssyncset.done $0x0  }
0x17: {  	[sflag:s9] =	ssyncadd.s32 $0xFFFF8000  }
0x18: {  	[tilespmem:s11], [sflag:$0x2] =	stream.linear.gather [hbm4b:s6+s2], $0x200, $0x38;
	[tilespmem:$0x18600] =	vst v63  }
0x19: {  	_ =	swait.ge [sflag:s9], $0x200  }
0x1a: {  	[sflag:s9] =	ssyncset.done $0x0  }
0x1b: {  	[sflag:s9] =	ssyncadd.s32 $0xFFFFFE00  }
0x1c: {  	[tilespmem:s13], [sflag:$0x1] =	stream.indirect.gather [hbm4b:s3+s12], $0x80, s2, s12, $0xb8;
	[tilespmem:$0x18600] =	vst v63  }
0x1d: {  	_ = 	snop  }
0x1e: {  	[tilespmem:s14], [sflag:$0x1] =	stream.indirect.gather [hbm4b:s3+s12], $0x80, s12, s12, $0xb8;
	[tilespmem:$0x18600] =	vst v63  }
0x1f: {  	_ = 	snop  }
0x20: {  	[tilespmem:s16], [sflag:$0x1] =	stream.indirect.gather [hbm4b:s3+s12], $0x80, s15, s12, $0xb8;
	[tilespmem:$0x18600] =	vst v63  }
0x21: {  	_ = 	snop  }
0x22: {  	[tilespmem:s18], [sflag:$0x1] =	stream.indirect.gather [hbm4b:s3+s12], $0x80, s17, s12, $0xb8;
	[tilespmem:$0x18600] =	vst v63  }
0x23: {  	_ =	swait.ge [sflag:s19], $0x4000  }
0x24: {  	[sflag:s19] =	ssyncset.done $0x0  }
0x25: {  	[sflag:s19] =	ssyncadd.s32 $0xFFFFC000  }
0x26: {  	_ =	swait.ge [sflag:s19], $0x4000  }
0x27: {  	[sflag:s19] =	ssyncset.done $0x0  }
0x28: {  	[sflag:s19] =	ssyncadd.s32 $0xFFFFC000  }
0x29: {  	_ =	swait.ge [sflag:s19], $0x4000  }
0x2a: {  	[sflag:s19] =	ssyncset.done $0x0  }
0x2b: {  	[sflag:s19] =	ssyncadd.s32 $0xFFFFC000  }
0x2c: {  	_ =	swait.ge [sflag:s19], $0x4000  }
0x2d: {  	[sflag:s19] =	ssyncset.done $0x0  }
0x2e: {  	s23 =	simm.s32 $0x10220;
	[sflag:s19] =	ssyncadd.s32 $0xFFFFC000  }
0x2f: {  	s24 =	simm.s32 $0x220;
	v0 =	vld [tilespmem:s23+$0xFFFFFFE0]  }
0x30: {  	v1 =	vld [tilespmem:s24+$0xFFFFFFE0]  }
0x31: {  	v2 =	vld [tilespmem:s24+$0xFFFFFFF0]  }
0x32: {  	s25 =	simm.s32 $0x1;
	s22 =	simm.s32 $0x0;
	v3 =	vld [tilespmem:s23+$0xFFFFFFF0]  }
.LBB2_2:
0x33: {  	p0 =	sne.s32 s25, $0x1FF;
	v4 =	vld [tilespmem:s24+$0x0]  }
0x34: {  	v5 =	vld [tilespmem:s23+$0x0]  }
0x35: {  	v6 =	vld [tilespmem:s24+$0x10]  }
0x36: {  	v7 =	vld [tilespmem:s23+$0x10]  }
0x37: {  	v0 =	vmul.f32 v0, v1;
	v1 =	vmul.f32 v3, v2;
	_ =	sdelay $0x1  }
0x38: {  	v0 =	vadd.f32 v1, v0;
	v1 =	vmul.f32 v5, v4;
	_ =	sdelay $0x1  }
0x39: {  	v0 =	vadd.f32 v1, v0;
	v1 =	vmul.f32 v7, v6;
	_ =	sdelay $0x1  }
0x3a: {  	v0 =	vadd.f32 v1, v0;
	_ =	sdelay $0x1  }
0x3b: {  	(xrf2) =	vadd.scan.msk.f32 $0xffff, v0;
	_ =	sdelay $0x5  }
0x3c: {  	v0 =	vmov s22;
	s22 =	smov.u32 s25;
	_ =	sdelay $0x3  }
0x3d: {  	v1, _, _ =	vpop (xrf2)  }
.Ltmp0:
0x3e: {  	s23 =	sadd.s32 $0x40, s23;
	[tilespmem:v0+s20+$0x0] =	vst.idx.msk vm0, v1;
	(pc) =	sbr.rel @p0 .LBB2_2-.Ltmp0, $4  }
0x3f: {  	s24 =	sadd.s32 $0x80, s24;
	v0 =	vld [tilespmem:s23+$0xFFFFFFE0]  }
0x40: {  	v1 =	vld [tilespmem:s24+$0xFFFFFFE0]  }
0x41: {  	v2 =	vld [tilespmem:s24+$0xFFFFFFF0]  }
0x42: {  	s25 =	sadd.s32 $0x1, s25;
	v3 =	vld [tilespmem:s23+$0xFFFFFFF0]  }
0x43: {  	v4 =	vld [tilespmem:s24+$0x0]  }
0x44: {  	v5 =	vld [tilespmem:s23+$0x0]  }
0x45: {  	v6 =	vld [tilespmem:s24+$0x10]  }
0x46: {  	v7 =	vld [tilespmem:s23+$0x10]  }
0x47: {  	v0 =	vmul.f32 v0, v1;
	v1 =	vmul.f32 v3, v2;
	_ =	sdelay $0x1  }
0x48: {  	v0 =	vadd.f32 v1, v0;
	v1 =	vmul.f32 v5, v4;
	_ =	sdelay $0x1  }
0x49: {  	v0 =	vadd.f32 v1, v0;
	v1 =	vmul.f32 v7, v6;
	_ =	sdelay $0x1  }
0x4a: {  	v0 =	vadd.f32 v1, v0;
	_ =	sdelay $0x1  }
0x4b: {  	(xrf2) =	vadd.scan.msk.f32 $0xffff, v0;
	_ =	sdelay $0x5  }
0x4c: {  	v0 =	vmov s22;
	_ =	sdelay $0x3  }
0x4d: {  	v1, _, _ =	vpop (xrf2)  }
0x4e: {  	s22 =	simm.s32 $0x0;
	[tilespmem:v0+s20+$0x0] =	vst.idx.msk vm0, v1  }
0x4f: {  	s23 =	simm.s32 $0x40;
	v0 =	vld [tilespmem:s22+$0x18200]  }
.LBB2_4:
0x50: {  	p0 =	sne.s32 s23, $0x7C0;
	v1 =	vld [tilespmem:s22+$0x18400];
	_ =	sdelay $0x2  }
.Ltmp1:
0x51: {  	(pc) =	sbr.rel @p0 .LBB2_4-.Ltmp1, $4  }
0x52: {  	_ = 	snop  }
0x53: {  	v1 =	vadd.f32 v0, v1  }
0x54: {  	s24 =	sshra.s32 s23, $0x2  }
0x55: {  	s23 =	sadd.s32 $0x40, s23;
	v0 =	vld [tilespmem:s24+$0x18200];
	[tilespmem:s22+$0x18400] =	vst v1;
	s22 =	smov.u32 s24  }
0x56: {  	v1 =	vld [tilespmem:s22+$0x18400];
	_ =	sdelay $0x4  }
0x57: {  	s21 =	sadd.s32 $0x1, s21;
	v0 =	vadd.f32 v0, v1  }
0x58: {  	p0 =	sne.s32 s21, s8  }
.Ltmp2:
0x59: {  	[tilespmem:s22+$0x18400] =	vst v0;
	(pc) =	sbr.rel @p0 .LBB2_1-.Ltmp2, $4  }
0x5a: {  	[hbm4b:s7+s2] =	stream.linear.scatter [tilespmem:s20], [sflag:$0x2], $0x200, $0x38;
	[tilespmem:$0x18600] =	vst v63  }
0x5b: {  	_ =	swait.ge [sflag:s9], $0x200  }
0x5c: {  	[sflag:s9] =	ssyncset.done $0x0  }
0x5d: {  	[sflag:s9] =	ssyncadd.s32 $0xFFFFFE00  }
0x5e: {  	_ =	sfence.sel $0x180000  }
0x5f: {  	[bflag:$0x0] =	sbarrier.arrive $0xFFFF  }
0x60: {  	p0 =	sne.s32 s1, $0x0;
	_ =	strace $0x9000004A  }
0x61: {  	s0 =	sadd.s32 @!p0 $0x100000, s0;
	[bflag:$0x2] =	sbarrier.arrive $0xFFFF  }
0x62: {  	[sflag:s0] =	ssyncadd.tile.s32 @!p0 $0x1;
	_ =	shalt  }
.Lfunc_end2:
_tile_overlayer_lowered:
.L_overlay_start_2:
0x63: {  	(tag) =	ssettag $0x2  }
0x64: {  	s0 =	rddreg [dreg:$0x0];
	s2 =	stileid.u32  }
0x65: {  	s1 =	rddreg [dreg:$0x1];
	p0 =	sne.s32 s2, $0x0  }
0x66: {  	s3 =	rddreg [dreg:$0x2];
	[bflag:$0x3] =	sbarrier.arrive $0xFFFF;
	s2 =	simm.s32 @!p0 $0x1C02  }
0x67: {  	[timem:s3], [sflag:s2] =	dma.local @!p0 [hbm:s0], s1  }
0x68: {  	s0 =	simm.s32 @!p0 $0x2  }
0x69: {  	_ =	swait.ge @!p0 [sflag:s0], s1  }
0x6a: {  	s1 =	ssub.s32 @!p0 $0x0, s1;
	[sflag:s0] =	ssyncset.done @!p0 $0x0  }
0x6b: {  	[sflag:s0] =	ssyncadd.s32 @!p0 s1  }
0x6c: {  	[bflag:$0x3] =	sbarrier.arrive $0xFFFF  }
0x6d: {  	_ =	shalt  }

</sc_bundles>
